<compile_context>
chip_gen: v7x
topology: tpu7x:2x2x1
jax: 0.10.2.dev20260603
libtpu: 0.0.44.dev20260713+nightly
codegen_flags: <defaults>
</compile_context>

<pallas_src>
import functools

import jax
import jax.numpy as jnp
from jax import lax
from jax.experimental import pallas as pl
from jax.experimental.pallas import tpu as pltpu
from jax.experimental.pallas import tpu_sc as plsc

SP_LEN = 2048
EMBED_DIM = 4096

NUM_CORES = 2
NUM_SUBCORES = 16
NUM_WORKERS = NUM_CORES * NUM_SUBCORES
ROWS_PER_WORKER = SP_LEN // NUM_WORKERS
CHUNK = 8
NUM_CHUNKS = ROWS_PER_WORKER // CHUNK
NBUF = 3


def _gather_body(table_hbm, idx_hbm, out_hbm, idx_v, rows_v, gsem, ssem):
    wid = lax.axis_index("s") * NUM_CORES + lax.axis_index("c")
    base = wid * ROWS_PER_WORKER

    pltpu.sync_copy(idx_hbm.at[pl.ds(base, ROWS_PER_WORKER)], idx_v)

    gathers = [None] * NBUF
    stores = [None] * NBUF

    def start_gather(c):
        slot = c % NBUF
        gathers[slot] = pltpu.async_copy(
            table_hbm.at[idx_v.at[pl.ds(c * CHUNK, CHUNK)]],
            rows_v.at[slot],
            gsem.at[slot],
        )

    for c in range(min(NBUF, NUM_CHUNKS)):
        start_gather(c)

    for c in range(NUM_CHUNKS):
        slot = c % NBUF
        gathers[slot].wait()
        stores[slot] = pltpu.async_copy(
            rows_v.at[slot],
            out_hbm.at[pl.ds(base + c * CHUNK, CHUNK)],
            ssem.at[slot],
        )
        nxt = c + NBUF
        if nxt < NUM_CHUNKS:
            stores[slot].wait()
            start_gather(nxt)

    for c in range(NUM_CHUNKS - NBUF, NUM_CHUNKS):
        if c >= 0:
            stores[c % NBUF].wait()


@jax.jit
def _soft_prompt_lookup(soft_prompt, seq_indices):
    mesh = plsc.VectorSubcoreMesh(core_axis_name="c", subcore_axis_name="s")
    run = functools.partial(
        pl.kernel,
        mesh=mesh,
        out_type=jax.ShapeDtypeStruct((SP_LEN, EMBED_DIM), jnp.float32),
        scratch_types=[
            pltpu.VMEM((ROWS_PER_WORKER,), jnp.int32),
            pltpu.VMEM((NBUF, CHUNK, EMBED_DIM), jnp.float32),
            pltpu.SemaphoreType.DMA((NBUF,)),
            pltpu.SemaphoreType.DMA((NBUF,)),
        ],
    )(_gather_body)
    return run(soft_prompt, seq_indices)


def kernel(soft_prompt, seq_indices):
    return _soft_prompt_lookup(soft_prompt, seq_indices.astype(jnp.int32))

# --- scband reference (transcript-rebuilt; emitter-appended) ---
"""Pipeline reference for scband-prompt-encoder-2508260901591 (READ-ONLY COPY).

The authoritative reference and input builder live on the scoring server;
editing this copy changes nothing except your own understanding.
"""

import jax, jax.numpy as jnp
import numpy as np

SP_LEN = 2048
EMBED_DIM = 4096

def setup_inputs(seed: int = 0) -> dict:
    key = jax.random.key(seed)
    k1, _ = jax.random.split(key)
    # seq_indices = torch.arange(0, sp_len) in the original module
    seq_indices = jnp.arange(SP_LEN, dtype=jnp.int64 if jax.config.jax_enable_x64 else jnp.int32)
    # soft_prompt table (learned parameter, Embedding.from_pretrained(..., freeze=False))
    soft_prompt = jax.random.normal(k1, (SP_LEN, EMBED_DIM), dtype=jnp.float32)
    return {"soft_prompt": soft_prompt, "seq_indices": seq_indices}

def reference(soft_prompt, seq_indices):
    # forward(): input_embeds = self.soft_prompt(self.seq_indices)
    # nn.Embedding lookup == row gather from the table
    input_embeds = jnp.take(soft_prompt, seq_indices, axis=0)
    return input_embeds

if __name__ == "__main__":
    import jax
    _d = setup_inputs()
    print(jax.jit(kernel)(*tuple(_d.values())))

</pallas_src>

<mosaic_0001>
#map = affine_map<(d0, d1) -> (0, 0)>
#map1 = affine_map<(d0, d1) -> (0)>
module attributes {stable_mosaic.version = 14 : i64} {
  func.func @_gather_body(%arg0: i32, %arg1: i32, %arg2: memref<2048x4096xf32, #tpu.memory_space<hbm>>, %arg3: memref<2048xi32, #tpu.memory_space<hbm>>, %arg4: memref<2048x4096xf32, #tpu.memory_space<hbm>>, %arg5: memref<64xi32, #tpu.memory_space<vmem>>, %arg6: memref<3x8x4096xf32, #tpu.memory_space<vmem>>, %arg7: memref<3x!tpu.dma_semaphore, #tpu.memory_space<semaphore_mem>>, %arg8: memref<3x!tpu.dma_semaphore, #tpu.memory_space<semaphore_mem>>) attributes {dimension_semantics = [#tpu.dimension_semantics<core_parallel>, #tpu.dimension_semantics<subcore_parallel>], iteration_bounds = array<i64: 2, 16>, scalar_prefetch = 0 : i64, scratch_operands = 4 : i64, tpu.core_type = #tpu.core_type<sc_vector_subcore>, window_params = [{transform_indices = #map}, {transform_indices = #map1}, {transform_indices = #map}]} {
    %mul3A = arith.constant 2 : i32
    %mul3A_0 = arith.muli %arg1, %mul3A : i32
    %add3A = arith.addi %mul3A_0, %arg0 : i32
    %mul3A_1 = arith.constant 64 : i32
    %mul3A_2 = arith.muli %add3A, %mul3A_1 : i32
    "tpu.region"() ({
      %run_scoped3A = tpu.sem_alloc : memref<!tpu.dma_semaphore, #tpu.memory_space<semaphore_mem>>
      %dma_start3A_481 = tpu.memref_slice %arg3[%mul3A_2] : memref<2048xi32, #tpu.memory_space<hbm>> -> memref<64xi32, #tpu.memory_space<hbm>>
      %dma_start3A_482 = tpu.memref_slice %arg3[%mul3A_2] : memref<2048xi32, #tpu.memory_space<hbm>> -> memref<64xi32, #tpu.memory_space<hbm>>
      tpu.enqueue_dma source(%dma_start3A_482 : memref<64xi32, #tpu.memory_space<hbm>>) target(%arg5 : memref<64xi32, #tpu.memory_space<vmem>>) target_semaphore(%run_scoped3A : memref<!tpu.dma_semaphore, #tpu.memory_space<semaphore_mem>>)
      %dma_wait3A_483 = tpu.memref_slice %arg3[%mul3A_2] : memref<2048xi32, #tpu.memory_space<hbm>> -> memref<64xi32, #tpu.memory_space<hbm>>
      %dma_wait3A_484 = tpu.memref_slice %arg3[%mul3A_2] : memref<2048xi32, #tpu.memory_space<hbm>> -> memref<64xi32, #tpu.memory_space<hbm>>
      tpu.wait_dma2 semaphore(%run_scoped3A : memref<!tpu.dma_semaphore, #tpu.memory_space<semaphore_mem>>) src(%dma_wait3A_484 : memref<64xi32, #tpu.memory_space<hbm>>) dst(%arg5 : memref<64xi32, #tpu.memory_space<vmem>>)
      tpu.yield
    }) : () -> ()
    %dma_start3A = arith.constant 0 : i32
    %dma_start3A_3 = arith.constant 0 : i32
    %dma_start3A_4 = arith.constant 0 : i32
    %dma_start3A_5 = arith.constant 0 : i32
    %dma_start3A_6 = tpu.memref_slice %arg6[%dma_start3A, %dma_start3A_4, %dma_start3A_5] : memref<3x8x4096xf32, #tpu.memory_space<vmem>> -> memref<1x8x4096xf32, #tpu.memory_space<vmem>>
    %dma_start3A_7 = tpu.memref_squeeze %dma_start3A_6 : memref<1x8x4096xf32, #tpu.memory_space<vmem>> -> memref<8x4096xf32, #tpu.memory_space<vmem>>
    %dma_start3A_8 = arith.constant 0 : i32
    %dma_start3A_9 = tpu.memref_slice %arg5[%dma_start3A_8] : memref<64xi32, #tpu.memory_space<vmem>> -> memref<8xi32, #tpu.memory_space<vmem>>
    %dma_start3A_10 = arith.constant 0 : i32
    %dma_start3A_11 = arith.constant 0 : i32
    %dma_start3A_12 = tpu.memref_slice %arg2[%dma_start3A_10, %dma_start3A_11] : memref<2048x4096xf32, #tpu.memory_space<hbm>> -> memref<2048x4096xf32, #tpu.memory_space<hbm>>
    %dma_start3A_13 = tpu.memref_slice %arg7[%dma_start3A_3] : memref<3x!tpu.dma_semaphore, #tpu.memory_space<semaphore_mem>> -> memref<1x!tpu.dma_semaphore, #tpu.memory_space<semaphore_mem>>
    %dma_start3A_14 = tpu.memref_squeeze %dma_start3A_13 : memref<1x!tpu.dma_semaphore, #tpu.memory_space<semaphore_mem>> -> memref<!tpu.dma_semaphore, #tpu.memory_space<semaphore_mem>>
    tpu.enqueue_indirect_dma source(%dma_start3A_12 : memref<2048x4096xf32, #tpu.memory_space<hbm>>) target(%dma_start3A_7 : memref<8x4096xf32, #tpu.memory_space<vmem>>) offsets(%dma_start3A_9 : memref<8xi32, #tpu.memory_space<vmem>>) semaphore(%dma_start3A_14 : memref<!tpu.dma_semaphore, #tpu.memory_space<semaphore_mem>>)
    %dma_start3A_15 = arith.constant 1 : i32
    %dma_start3A_16 = arith.constant 1 : i32
    %dma_start3A_17 = arith.constant 0 : i32
    %dma_start3A_18 = arith.constant 0 : i32
    %dma_start3A_19 = tpu.memref_slice %arg6[%dma_start3A_15, %dma_start3A_17, %dma_start3A_18] : memref<3x8x4096xf32, #tpu.memory_space<vmem>> -> memref<1x8x4096xf32, #tpu.memory_space<vmem>>
    %dma_start3A_20 = tpu.memref_squeeze %dma_start3A_19 : memref<1x8x4096xf32, #tpu.memory_space<vmem>> -> memref<8x4096xf32, #tpu.memory_space<vmem>>
    %dma_start3A_21 = arith.constant 8 : i32
    %dma_start3A_22 = tpu.memref_slice %arg5[%dma_start3A_21] : memref<64xi32, #tpu.memory_space<vmem>> -> memref<8xi32, #tpu.memory_space<vmem>>
    %dma_start3A_23 = arith.constant 0 : i32
    %dma_start3A_24 = arith.constant 0 : i32
    %dma_start3A_25 = tpu.memref_slice %arg2[%dma_start3A_23, %dma_start3A_24] : memref<2048x4096xf32, #tpu.memory_space<hbm>> -> memref<2048x4096xf32, #tpu.memory_space<hbm>>
    %dma_start3A_26 = tpu.memref_slice %arg7[%dma_start3A_16] : memref<3x!tpu.dma_semaphore, #tpu.memory_space<semaphore_mem>> -> memref<1x!tpu.dma_semaphore, #tpu.memory_space<semaphore_mem>>
    %dma_start3A_27 = tpu.memref_squeeze %dma_start3A_26 : memref<1x!tpu.dma_semaphore, #tpu.memory_space<semaphore_mem>> -> memref<!tpu.dma_semaphore, #tpu.memory_space<semaphore_mem>>
    tpu.enqueue_indirect_dma source(%dma_start3A_25 : memref<2048x4096xf32, #tpu.memory_space<hbm>>) target(%dma_start3A_20 : memref<8x4096xf32, #tpu.memory_space<vmem>>) offsets(%dma_start3A_22 : memref<8xi32, #tpu.memory_space<vmem>>) semaphore(%dma_start3A_27 : memref<!tpu.dma_semaphore, #tpu.memory_space<semaphore_mem>>)
    %dma_start3A_28 = arith.constant 2 : i32
    %dma_start3A_29 = arith.constant 2 : i32
    %dma_start3A_30 = arith.constant 0 : i32
    %dma_start3A_31 = arith.constant 0 : i32
    %dma_start3A_32 = tpu.memref_slice %arg6[%dma_start3A_28, %dma_start3A_30, %dma_start3A_31] : memref<3x8x4096xf32, #tpu.memory_space<vmem>> -> memref<1x8x4096xf32, #tpu.memory_space<vmem>>
    %dma_start3A_33 = tpu.memref_squeeze %dma_start3A_32 : memref<1x8x4096xf32, #tpu.memory_space<vmem>> -> memref<8x4096xf32, #tpu.memory_space<vmem>>
    %dma_start3A_34 = arith.constant 16 : i32
    %dma_start3A_35 = tpu.memref_slice %arg5[%dma_start3A_34] : memref<64xi32, #tpu.memory_space<vmem>> -> memref<8xi32, #tpu.memory_space<vmem>>
    %dma_start3A_36 = arith.constant 0 : i32
    %dma_start3A_37 = arith.constant 0 : i32
    %dma_start3A_38 = tpu.memref_slice %arg2[%dma_start3A_36, %dma_start3A_37] : memref<2048x4096xf32, #tpu.memory_space<hbm>> -> memref<2048x4096xf32, #tpu.memory_space<hbm>>
    %dma_start3A_39 = tpu.memref_slice %arg7[%dma_start3A_29] : memref<3x!tpu.dma_semaphore, #tpu.memory_space<semaphore_mem>> -> memref<1x!tpu.dma_semaphore, #tpu.memory_space<semaphore_mem>>
    %dma_start3A_40 = tpu.memref_squeeze %dma_start3A_39 : memref<1x!tpu.dma_semaphore, #tpu.memory_space<semaphore_mem>> -> memref<!tpu.dma_semaphore, #tpu.memory_space<semaphore_mem>>
    tpu.enqueue_indirect_dma source(%dma_start3A_38 : memref<2048x4096xf32, #tpu.memory_space<hbm>>) target(%dma_start3A_33 : memref<8x4096xf32, #tpu.memory_space<vmem>>) offsets(%dma_start3A_35 : memref<8xi32, #tpu.memory_space<vmem>>) semaphore(%dma_start3A_40 : memref<!tpu.dma_semaphore, #tpu.memory_space<semaphore_mem>>)
    %dma_wait3A = arith.constant 0 : i32
    %dma_wait3A_41 = arith.constant 0 : i32
    %dma_wait3A_42 = arith.constant 0 : i32
    %dma_wait3A_43 = arith.constant 0 : i32
    %dma_wait3A_44 = tpu.memref_slice %arg6[%dma_wait3A, %dma_wait3A_42, %dma_wait3A_43] : memref<3x8x4096xf32, #tpu.memory_space<vmem>> -> memref<1x8x4096xf32, #tpu.memory_space<vmem>>
    %dma_wait3A_45 = tpu.memref_squeeze %dma_wait3A_44 : memref<1x8x4096xf32, #tpu.memory_space<vmem>> -> memref<8x4096xf32, #tpu.memory_space<vmem>>
    %dma_wait3A_46 = arith.constant 0 : i32
    %dma_wait3A_47 = tpu.memref_slice %arg5[%dma_wait3A_46] : memref<64xi32, #tpu.memory_space<vmem>> -> memref<8xi32, #tpu.memory_space<vmem>>
    %dma_wait3A_48 = arith.constant 0 : i32
    %dma_wait3A_49 = arith.constant 0 : i32
    %dma_wait3A_50 = tpu.memref_slice %arg2[%dma_wait3A_48, %dma_wait3A_49] : memref<2048x4096xf32, #tpu.memory_space<hbm>> -> memref<2048x4096xf32, #tpu.memory_space<hbm>>
    %dma_wait3A_51 = tpu.memref_slice %arg7[%dma_wait3A_41] : memref<3x!tpu.dma_semaphore, #tpu.memory_space<semaphore_mem>> -> memref<1x!tpu.dma_semaphore, #tpu.memory_space<semaphore_mem>>
    %dma_wait3A_52 = tpu.memref_squeeze %dma_wait3A_51 : memref<1x!tpu.dma_semaphore, #tpu.memory_space<semaphore_mem>> -> memref<!tpu.dma_semaphore, #tpu.memory_space<semaphore_mem>>
    tpu.wait_indirect_dma semaphore(%dma_wait3A_52 : memref<!tpu.dma_semaphore, #tpu.memory_space<semaphore_mem>>) src(%dma_wait3A_50 : memref<2048x4096xf32, #tpu.memory_space<hbm>>) dst(%dma_wait3A_45 : memref<8x4096xf32, #tpu.memory_space<vmem>>)
    %add3A_53 = arith.constant 0 : i32
    %add3A_54 = arith.addi %mul3A_2, %add3A_53 : i32
    %dma_start3A_55 = arith.constant 0 : i32
    %dma_start3A_56 = arith.constant 0 : i32
    %dma_start3A_57 = arith.constant 0 : i32
    %dma_start3A_58 = arith.constant 0 : i32
    %dma_start3A_59 = tpu.memref_slice %arg6[%dma_start3A_55, %dma_start3A_57, %dma_start3A_58] : memref<3x8x4096xf32, #tpu.memory_space<vmem>> -> memref<1x8x4096xf32, #tpu.memory_space<vmem>>
    %dma_start3A_60 = tpu.memref_squeeze %dma_start3A_59 : memref<1x8x4096xf32, #tpu.memory_space<vmem>> -> memref<8x4096xf32, #tpu.memory_space<vmem>>
    %dma_start3A_61 = arith.constant 0 : i32
    %dma_start3A_62 = tpu.memref_slice %arg4[%add3A_54, %dma_start3A_61] : memref<2048x4096xf32, #tpu.memory_space<hbm>> -> memref<8x4096xf32, #tpu.memory_space<hbm>>
    %dma_start3A_63 = tpu.memref_slice %arg8[%dma_start3A_56] : memref<3x!tpu.dma_semaphore, #tpu.memory_space<semaphore_mem>> -> memref<1x!tpu.dma_semaphore, #tpu.memory_space<semaphore_mem>>
    %dma_start3A_64 = tpu.memref_squeeze %dma_start3A_63 : memref<1x!tpu.dma_semaphore, #tpu.memory_space<semaphore_mem>> -> memref<!tpu.dma_semaphore, #tpu.memory_space<semaphore_mem>>
    %dma_start3A_65 = arith.constant 0 : i32
    %dma_start3A_66 = tpu.memref_slice %arg4[%add3A_54, %dma_start3A_65] : memref<2048x4096xf32, #tpu.memory_space<hbm>> -> memref<8x4096xf32, #tpu.memory_space<hbm>>
    %dma_start3A_67 = arith.constant 0 : i32
    %dma_start3A_68 = arith.constant 0 : i32
    %dma_start3A_69 = tpu.memref_slice %arg6[%dma_start3A_55, %dma_start3A_67, %dma_start3A_68] : memref<3x8x4096xf32, #tpu.memory_space<vmem>> -> memref<1x8x4096xf32, #tpu.memory_space<vmem>>
    %dma_start3A_70 = tpu.memref_squeeze %dma_start3A_69 : memref<1x8x4096xf32, #tpu.memory_space<vmem>> -> memref<8x4096xf32, #tpu.memory_space<vmem>>
    tpu.enqueue_dma source(%dma_start3A_70 : memref<8x4096xf32, #tpu.memory_space<vmem>>) target(%dma_start3A_66 : memref<8x4096xf32, #tpu.memory_space<hbm>>) target_semaphore(%dma_start3A_64 : memref<!tpu.dma_semaphore, #tpu.memory_space<semaphore_mem>>)
    %dma_wait3A_71 = arith.constant 0 : i32
    %dma_wait3A_72 = arith.constant 0 : i32
    %dma_wait3A_73 = arith.constant 0 : i32
    %dma_wait3A_74 = arith.constant 0 : i32
    %dma_wait3A_75 = tpu.memref_slice %arg6[%dma_wait3A_71, %dma_wait3A_73, %dma_wait3A_74] : memref<3x8x4096xf32, #tpu.memory_space<vmem>> -> memref<1x8x4096xf32, #tpu.memory_space<vmem>>
    %dma_wait3A_76 = tpu.memref_squeeze %dma_wait3A_75 : memref<1x8x4096xf32, #tpu.memory_space<vmem>> -> memref<8x4096xf32, #tpu.memory_space<vmem>>
    %dma_wait3A_77 = arith.constant 0 : i32
    %dma_wait3A_78 = tpu.memref_slice %arg4[%add3A_54, %dma_wait3A_77] : memref<2048x4096xf32, #tpu.memory_space<hbm>> -> memref<8x4096xf32, #tpu.memory_space<hbm>>
    %dma_wait3A_79 = tpu.memref_slice %arg8[%dma_wait3A_72] : memref<3x!tpu.dma_semaphore, #tpu.memory_space<semaphore_mem>> -> memref<1x!tpu.dma_semaphore, #tpu.memory_space<semaphore_mem>>
    %dma_wait3A_80 = tpu.memref_squeeze %dma_wait3A_79 : memref<1x!tpu.dma_semaphore, #tpu.memory_space<semaphore_mem>> -> memref<!tpu.dma_semaphore, #tpu.memory_space<semaphore_mem>>
    %dma_wait3A_81 = arith.constant 0 : i32
    %dma_wait3A_82 = tpu.memref_slice %arg4[%add3A_54, %dma_wait3A_81] : memref<2048x4096xf32, #tpu.memory_space<hbm>> -> memref<8x4096xf32, #tpu.memory_space<hbm>>
    %dma_wait3A_83 = arith.constant 0 : i32
    %dma_wait3A_84 = arith.constant 0 : i32
    %dma_wait3A_85 = tpu.memref_slice %arg6[%dma_wait3A_71, %dma_wait3A_83, %dma_wait3A_84] : memref<3x8x4096xf32, #tpu.memory_space<vmem>> -> memref<1x8x4096xf32, #tpu.memory_space<vmem>>
    %dma_wait3A_86 = tpu.memref_squeeze %dma_wait3A_85 : memref<1x8x4096xf32, #tpu.memory_space<vmem>> -> memref<8x4096xf32, #tpu.memory_space<vmem>>
    tpu.wait_dma2 semaphore(%dma_wait3A_80 : memref<!tpu.dma_semaphore, #tpu.memory_space<semaphore_mem>>) src(%dma_wait3A_86 : memref<8x4096xf32, #tpu.memory_space<vmem>>) dst(%dma_wait3A_82 : memref<8x4096xf32, #tpu.memory_space<hbm>>)
    %dma_start3A_87 = arith.constant 0 : i32
    %dma_start3A_88 = arith.constant 0 : i32
    %dma_start3A_89 = arith.constant 0 : i32
    %dma_start3A_90 = arith.constant 0 : i32
    %dma_start3A_91 = tpu.memref_slice %arg6[%dma_start3A_87, %dma_start3A_89, %dma_start3A_90] : memref<3x8x4096xf32, #tpu.memory_space<vmem>> -> memref<1x8x4096xf32, #tpu.memory_space<vmem>>
    %dma_start3A_92 = tpu.memref_squeeze %dma_start3A_91 : memref<1x8x4096xf32, #tpu.memory_space<vmem>> -> memref<8x4096xf32, #tpu.memory_space<vmem>>
    %dma_start3A_93 = arith.constant 24 : i32
    %dma_start3A_94 = tpu.memref_slice %arg5[%dma_start3A_93] : memref<64xi32, #tpu.memory_space<vmem>> -> memref<8xi32, #tpu.memory_space<vmem>>
    %dma_start3A_95 = arith.constant 0 : i32
    %dma_start3A_96 = arith.constant 0 : i32
    %dma_start3A_97 = tpu.memref_slice %arg2[%dma_start3A_95, %dma_start3A_96] : memref<2048x4096xf32, #tpu.memory_space<hbm>> -> memref<2048x4096xf32, #tpu.memory_space<hbm>>
    %dma_start3A_98 = tpu.memref_slice %arg7[%dma_start3A_88] : memref<3x!tpu.dma_semaphore, #tpu.memory_space<semaphore_mem>> -> memref<1x!tpu.dma_semaphore, #tpu.memory_space<semaphore_mem>>
    %dma_start3A_99 = tpu.memref_squeeze %dma_start3A_98 : memref<1x!tpu.dma_semaphore, #tpu.memory_space<semaphore_mem>> -> memref<!tpu.dma_semaphore, #tpu.memory_space<semaphore_mem>>
    tpu.enqueue_indirect_dma source(%dma_start3A_97 : memref<2048x4096xf32, #tpu.memory_space<hbm>>) target(%dma_start3A_92 : memref<8x4096xf32, #tpu.memory_space<vmem>>) offsets(%dma_start3A_94 : memref<8xi32, #tpu.memory_space<vmem>>) semaphore(%dma_start3A_99 : memref<!tpu.dma_semaphore, #tpu.memory_space<semaphore_mem>>)
    %dma_wait3A_100 = arith.constant 1 : i32
    %dma_wait3A_101 = arith.constant 1 : i32
    %dma_wait3A_102 = arith.constant 0 : i32
    %dma_wait3A_103 = arith.constant 0 : i32
    %dma_wait3A_104 = tpu.memref_slice %arg6[%dma_wait3A_100, %dma_wait3A_102, %dma_wait3A_103] : memref<3x8x4096xf32, #tpu.memory_space<vmem>> -> memref<1x8x4096xf32, #tpu.memory_space<vmem>>
    %dma_wait3A_105 = tpu.memref_squeeze %dma_wait3A_104 : memref<1x8x4096xf32, #tpu.memory_space<vmem>> -> memref<8x4096xf32, #tpu.memory_space<vmem>>
    %dma_wait3A_106 = arith.constant 8 : i32
    %dma_wait3A_107 = tpu.memref_slice %arg5[%dma_wait3A_106] : memref<64xi32, #tpu.memory_space<vmem>> -> memref<8xi32, #tpu.memory_space<vmem>>
    %dma_wait3A_108 = arith.constant 0 : i32
    %dma_wait3A_109 = arith.constant 0 : i32
    %dma_wait3A_110 = tpu.memref_slice %arg2[%dma_wait3A_108, %dma_wait3A_109] : memref<2048x4096xf32, #tpu.memory_space<hbm>> -> memref<2048x4096xf32, #tpu.memory_space<hbm>>
    %dma_wait3A_111 = tpu.memref_slice %arg7[%dma_wait3A_101] : memref<3x!tpu.dma_semaphore, #tpu.memory_space<semaphore_mem>> -> memref<1x!tpu.dma_semaphore, #tpu.memory_space<semaphore_mem>>
    %dma_wait3A_112 = tpu.memref_squeeze %dma_wait3A_111 : memref<1x!tpu.dma_semaphore, #tpu.memory_space<semaphore_mem>> -> memref<!tpu.dma_semaphore, #tpu.memory_space<semaphore_mem>>
    tpu.wait_indirect_dma semaphore(%dma_wait3A_112 : memref<!tpu.dma_semaphore, #tpu.memory_space<semaphore_mem>>) src(%dma_wait3A_110 : memref<2048x4096xf32, #tpu.memory_space<hbm>>) dst(%dma_wait3A_105 : memref<8x4096xf32, #tpu.memory_space<vmem>>)
    %add3A_113 = arith.constant 8 : i32
    %add3A_114 = arith.addi %mul3A_2, %add3A_113 : i32
    %dma_start3A_115 = arith.constant 1 : i32
    %dma_start3A_116 = arith.constant 1 : i32
    %dma_start3A_117 = arith.constant 0 : i32
    %dma_start3A_118 = arith.constant 0 : i32
    %dma_start3A_119 = tpu.memref_slice %arg6[%dma_start3A_115, %dma_start3A_117, %dma_start3A_118] : memref<3x8x4096xf32, #tpu.memory_space<vmem>> -> memref<1x8x4096xf32, #tpu.memory_space<vmem>>
    %dma_start3A_120 = tpu.memref_squeeze %dma_start3A_119 : memref<1x8x4096xf32, #tpu.memory_space<vmem>> -> memref<8x4096xf32, #tpu.memory_space<vmem>>
    %dma_start3A_121 = arith.constant 0 : i32
    %dma_start3A_122 = tpu.memref_slice %arg4[%add3A_114, %dma_start3A_121] : memref<2048x4096xf32, #tpu.memory_space<hbm>> -> memref<8x4096xf32, #tpu.memory_space<hbm>>
    %dma_start3A_123 = tpu.memref_slice %arg8[%dma_start3A_116] : memref<3x!tpu.dma_semaphore, #tpu.memory_space<semaphore_mem>> -> memref<1x!tpu.dma_semaphore, #tpu.memory_space<semaphore_mem>>
    %dma_start3A_124 = tpu.memref_squeeze %dma_start3A_123 : memref<1x!tpu.dma_semaphore, #tpu.memory_space<semaphore_mem>> -> memref<!tpu.dma_semaphore, #tpu.memory_space<semaphore_mem>>
    %dma_start3A_125 = arith.constant 0 : i32
    %dma_start3A_126 = tpu.memref_slice %arg4[%add3A_114, %dma_start3A_125] : memref<2048x4096xf32, #tpu.memory_space<hbm>> -> memref<8x4096xf32, #tpu.memory_space<hbm>>
    %dma_start3A_127 = arith.constant 0 : i32
    %dma_start3A_128 = arith.constant 0 : i32
    %dma_start3A_129 = tpu.memref_slice %arg6[%dma_start3A_115, %dma_start3A_127, %dma_start3A_128] : memref<3x8x4096xf32, #tpu.memory_space<vmem>> -> memref<1x8x4096xf32, #tpu.memory_space<vmem>>
    %dma_start3A_130 = tpu.memref_squeeze %dma_start3A_129 : memref<1x8x4096xf32, #tpu.memory_space<vmem>> -> memref<8x4096xf32, #tpu.memory_space<vmem>>
    tpu.enqueue_dma source(%dma_start3A_130 : memref<8x4096xf32, #tpu.memory_space<vmem>>) target(%dma_start3A_126 : memref<8x4096xf32, #tpu.memory_space<hbm>>) target_semaphore(%dma_start3A_124 : memref<!tpu.dma_semaphore, #tpu.memory_space<semaphore_mem>>)
    %dma_wait3A_131 = arith.constant 1 : i32
    %dma_wait3A_132 = arith.constant 1 : i32
    %dma_wait3A_133 = arith.constant 0 : i32
    %dma_wait3A_134 = arith.constant 0 : i32
    %dma_wait3A_135 = tpu.memref_slice %arg6[%dma_wait3A_131, %dma_wait3A_133, %dma_wait3A_134] : memref<3x8x4096xf32, #tpu.memory_space<vmem>> -> memref<1x8x4096xf32, #tpu.memory_space<vmem>>
    %dma_wait3A_136 = tpu.memref_squeeze %dma_wait3A_135 : memref<1x8x4096xf32, #tpu.memory_space<vmem>> -> memref<8x4096xf32, #tpu.memory_space<vmem>>
    %dma_wait3A_137 = arith.constant 0 : i32
    %dma_wait3A_138 = tpu.memref_slice %arg4[%add3A_114, %dma_wait3A_137] : memref<2048x4096xf32, #tpu.memory_space<hbm>> -> memref<8x4096xf32, #tpu.memory_space<hbm>>
    %dma_wait3A_139 = tpu.memref_slice %arg8[%dma_wait3A_132] : memref<3x!tpu.dma_semaphore, #tpu.memory_space<semaphore_mem>> -> memref<1x!tpu.dma_semaphore, #tpu.memory_space<semaphore_mem>>
    %dma_wait3A_140 = tpu.memref_squeeze %dma_wait3A_139 : memref<1x!tpu.dma_semaphore, #tpu.memory_space<semaphore_mem>> -> memref<!tpu.dma_semaphore, #tpu.memory_space<semaphore_mem>>
    %dma_wait3A_141 = arith.constant 0 : i32
    %dma_wait3A_142 = tpu.memref_slice %arg4[%add3A_114, %dma_wait3A_141] : memref<2048x4096xf32, #tpu.memory_space<hbm>> -> memref<8x4096xf32, #tpu.memory_space<hbm>>
    %dma_wait3A_143 = arith.constant 0 : i32
    %dma_wait3A_144 = arith.constant 0 : i32
    %dma_wait3A_145 = tpu.memref_slice %arg6[%dma_wait3A_131, %dma_wait3A_143, %dma_wait3A_144] : memref<3x8x4096xf32, #tpu.memory_space<vmem>> -> memref<1x8x4096xf32, #tpu.memory_space<vmem>>
    %dma_wait3A_146 = tpu.memref_squeeze %dma_wait3A_145 : memref<1x8x4096xf32, #tpu.memory_space<vmem>> -> memref<8x4096xf32, #tpu.memory_space<vmem>>
    tpu.wait_dma2 semaphore(%dma_wait3A_140 : memref<!tpu.dma_semaphore, #tpu.memory_space<semaphore_mem>>) src(%dma_wait3A_146 : memref<8x4096xf32, #tpu.memory_space<vmem>>) dst(%dma_wait3A_142 : memref<8x4096xf32, #tpu.memory_space<hbm>>)
    %dma_start3A_147 = arith.constant 1 : i32
    %dma_start3A_148 = arith.constant 1 : i32
    %dma_start3A_149 = arith.constant 0 : i32
    %dma_start3A_150 = arith.constant 0 : i32
    %dma_start3A_151 = tpu.memref_slice %arg6[%dma_start3A_147, %dma_start3A_149, %dma_start3A_150] : memref<3x8x4096xf32, #tpu.memory_space<vmem>> -> memref<1x8x4096xf32, #tpu.memory_space<vmem>>
    %dma_start3A_152 = tpu.memref_squeeze %dma_start3A_151 : memref<1x8x4096xf32, #tpu.memory_space<vmem>> -> memref<8x4096xf32, #tpu.memory_space<vmem>>
    %dma_start3A_153 = arith.constant 32 : i32
    %dma_start3A_154 = tpu.memref_slice %arg5[%dma_start3A_153] : memref<64xi32, #tpu.memory_space<vmem>> -> memref<8xi32, #tpu.memory_space<vmem>>
    %dma_start3A_155 = arith.constant 0 : i32
    %dma_start3A_156 = arith.constant 0 : i32
    %dma_start3A_157 = tpu.memref_slice %arg2[%dma_start3A_155, %dma_start3A_156] : memref<2048x4096xf32, #tpu.memory_space<hbm>> -> memref<2048x4096xf32, #tpu.memory_space<hbm>>
    %dma_start3A_158 = tpu.memref_slice %arg7[%dma_start3A_148] : memref<3x!tpu.dma_semaphore, #tpu.memory_space<semaphore_mem>> -> memref<1x!tpu.dma_semaphore, #tpu.memory_space<semaphore_mem>>
    %dma_start3A_159 = tpu.memref_squeeze %dma_start3A_158 : memref<1x!tpu.dma_semaphore, #tpu.memory_space<semaphore_mem>> -> memref<!tpu.dma_semaphore, #tpu.memory_space<semaphore_mem>>
    tpu.enqueue_indirect_dma source(%dma_start3A_157 : memref<2048x4096xf32, #tpu.memory_space<hbm>>) target(%dma_start3A_152 : memref<8x4096xf32, #tpu.memory_space<vmem>>) offsets(%dma_start3A_154 : memref<8xi32, #tpu.memory_space<vmem>>) semaphore(%dma_start3A_159 : memref<!tpu.dma_semaphore, #tpu.memory_space<semaphore_mem>>)
    %dma_wait3A_160 = arith.constant 2 : i32
    %dma_wait3A_161 = arith.constant 2 : i32
    %dma_wait3A_162 = arith.constant 0 : i32
    %dma_wait3A_163 = arith.constant 0 : i32
    %dma_wait3A_164 = tpu.memref_slice %arg6[%dma_wait3A_160, %dma_wait3A_162, %dma_wait3A_163] : memref<3x8x4096xf32, #tpu.memory_space<vmem>> -> memref<1x8x4096xf32, #tpu.memory_space<vmem>>
    %dma_wait3A_165 = tpu.memref_squeeze %dma_wait3A_164 : memref<1x8x4096xf32, #tpu.memory_space<vmem>> -> memref<8x4096xf32, #tpu.memory_space<vmem>>
    %dma_wait3A_166 = arith.constant 16 : i32
    %dma_wait3A_167 = tpu.memref_slice %arg5[%dma_wait3A_166] : memref<64xi32, #tpu.memory_space<vmem>> -> memref<8xi32, #tpu.memory_space<vmem>>
    %dma_wait3A_168 = arith.constant 0 : i32
    %dma_wait3A_169 = arith.constant 0 : i32
    %dma_wait3A_170 = tpu.memref_slice %arg2[%dma_wait3A_168, %dma_wait3A_169] : memref<2048x4096xf32, #tpu.memory_space<hbm>> -> memref<2048x4096xf32, #tpu.memory_space<hbm>>
    %dma_wait3A_171 = tpu.memref_slice %arg7[%dma_wait3A_161] : memref<3x!tpu.dma_semaphore, #tpu.memory_space<semaphore_mem>> -> memref<1x!tpu.dma_semaphore, #tpu.memory_space<semaphore_mem>>
    %dma_wait3A_172 = tpu.memref_squeeze %dma_wait3A_171 : memref<1x!tpu.dma_semaphore, #tpu.memory_space<semaphore_mem>> -> memref<!tpu.dma_semaphore, #tpu.memory_space<semaphore_mem>>
    tpu.wait_indirect_dma semaphore(%dma_wait3A_172 : memref<!tpu.dma_semaphore, #tpu.memory_space<semaphore_mem>>) src(%dma_wait3A_170 : memref<2048x4096xf32, #tpu.memory_space<hbm>>) dst(%dma_wait3A_165 : memref<8x4096xf32, #tpu.memory_space<vmem>>)
    %add3A_173 = arith.constant 16 : i32
    %add3A_174 = arith.addi %mul3A_2, %add3A_173 : i32
    %dma_start3A_175 = arith.constant 2 : i32
    %dma_start3A_176 = arith.constant 2 : i32
    %dma_start3A_177 = arith.constant 0 : i32
    %dma_start3A_178 = arith.constant 0 : i32
    %dma_start3A_179 = tpu.memref_slice %arg6[%dma_start3A_175, %dma_start3A_177, %dma_start3A_178] : memref<3x8x4096xf32, #tpu.memory_space<vmem>> -> memref<1x8x4096xf32, #tpu.memory_space<vmem>>
    %dma_start3A_180 = tpu.memref_squeeze %dma_start3A_179 : memref<1x8x4096xf32, #tpu.memory_space<vmem>> -> memref<8x4096xf32, #tpu.memory_space<vmem>>
    %dma_start3A_181 = arith.constant 0 : i32
    %dma_start3A_182 = tpu.memref_slice %arg4[%add3A_174, %dma_start3A_181] : memref<2048x4096xf32, #tpu.memory_space<hbm>> -> memref<8x4096xf32, #tpu.memory_space<hbm>>
    %dma_start3A_183 = tpu.memref_slice %arg8[%dma_start3A_176] : memref<3x!tpu.dma_semaphore, #tpu.memory_space<semaphore_mem>> -> memref<1x!tpu.dma_semaphore, #tpu.memory_space<semaphore_mem>>
    %dma_start3A_184 = tpu.memref_squeeze %dma_start3A_183 : memref<1x!tpu.dma_semaphore, #tpu.memory_space<semaphore_mem>> -> memref<!tpu.dma_semaphore, #tpu.memory_space<semaphore_mem>>
    %dma_start3A_185 = arith.constant 0 : i32
    %dma_start3A_186 = tpu.memref_slice %arg4[%add3A_174, %dma_start3A_185] : memref<2048x4096xf32, #tpu.memory_space<hbm>> -> memref<8x4096xf32, #tpu.memory_space<hbm>>
    %dma_start3A_187 = arith.constant 0 : i32
    %dma_start3A_188 = arith.constant 0 : i32
    %dma_start3A_189 = tpu.memref_slice %arg6[%dma_start3A_175, %dma_start3A_187, %dma_start3A_188] : memref<3x8x4096xf32, #tpu.memory_space<vmem>> -> memref<1x8x4096xf32, #tpu.memory_space<vmem>>
    %dma_start3A_190 = tpu.memref_squeeze %dma_start3A_189 : memref<1x8x4096xf32, #tpu.memory_space<vmem>> -> memref<8x4096xf32, #tpu.memory_space<vmem>>
    tpu.enqueue_dma source(%dma_start3A_190 : memref<8x4096xf32, #tpu.memory_space<vmem>>) target(%dma_start3A_186 : memref<8x4096xf32, #tpu.memory_space<hbm>>) target_semaphore(%dma_start3A_184 : memref<!tpu.dma_semaphore, #tpu.memory_space<semaphore_mem>>)
    %dma_wait3A_191 = arith.constant 2 : i32
    %dma_wait3A_192 = arith.constant 2 : i32
    %dma_wait3A_193 = arith.constant 0 : i32
    %dma_wait3A_194 = arith.constant 0 : i32
    %dma_wait3A_195 = tpu.memref_slice %arg6[%dma_wait3A_191, %dma_wait3A_193, %dma_wait3A_194] : memref<3x8x4096xf32, #tpu.memory_space<vmem>> -> memref<1x8x4096xf32, #tpu.memory_space<vmem>>
    %dma_wait3A_196 = tpu.memref_squeeze %dma_wait3A_195 : memref<1x8x4096xf32, #tpu.memory_space<vmem>> -> memref<8x4096xf32, #tpu.memory_space<vmem>>
    %dma_wait3A_197 = arith.constant 0 : i32
    %dma_wait3A_198 = tpu.memref_slice %arg4[%add3A_174, %dma_wait3A_197] : memref<2048x4096xf32, #tpu.memory_space<hbm>> -> memref<8x4096xf32, #tpu.memory_space<hbm>>
    %dma_wait3A_199 = tpu.memref_slice %arg8[%dma_wait3A_192] : memref<3x!tpu.dma_semaphore, #tpu.memory_space<semaphore_mem>> -> memref<1x!tpu.dma_semaphore, #tpu.memory_space<semaphore_mem>>
    %dma_wait3A_200 = tpu.memref_squeeze %dma_wait3A_199 : memref<1x!tpu.dma_semaphore, #tpu.memory_space<semaphore_mem>> -> memref<!tpu.dma_semaphore, #tpu.memory_space<semaphore_mem>>
    %dma_wait3A_201 = arith.constant 0 : i32
    %dma_wait3A_202 = tpu.memref_slice %arg4[%add3A_174, %dma_wait3A_201] : memref<2048x4096xf32, #tpu.memory_space<hbm>> -> memref<8x4096xf32, #tpu.memory_space<hbm>>
    %dma_wait3A_203 = arith.constant 0 : i32
    %dma_wait3A_204 = arith.constant 0 : i32
    %dma_wait3A_205 = tpu.memref_slice %arg6[%dma_wait3A_191, %dma_wait3A_203, %dma_wait3A_204] : memref<3x8x4096xf32, #tpu.memory_space<vmem>> -> memref<1x8x4096xf32, #tpu.memory_space<vmem>>
    %dma_wait3A_206 = tpu.memref_squeeze %dma_wait3A_205 : memref<1x8x4096xf32, #tpu.memory_space<vmem>> -> memref<8x4096xf32, #tpu.memory_space<vmem>>
    tpu.wait_dma2 semaphore(%dma_wait3A_200 : memref<!tpu.dma_semaphore, #tpu.memory_space<semaphore_mem>>) src(%dma_wait3A_206 : memref<8x4096xf32, #tpu.memory_space<vmem>>) dst(%dma_wait3A_202 : memref<8x4096xf32, #tpu.memory_space<hbm>>)
    %dma_start3A_207 = arith.constant 2 : i32
    %dma_start3A_208 = arith.constant 2 : i32
    %dma_start3A_209 = arith.constant 0 : i32
    %dma_start3A_210 = arith.constant 0 : i32
    %dma_start3A_211 = tpu.memref_slice %arg6[%dma_start3A_207, %dma_start3A_209, %dma_start3A_210] : memref<3x8x4096xf32, #tpu.memory_space<vmem>> -> memref<1x8x4096xf32, #tpu.memory_space<vmem>>
    %dma_start3A_212 = tpu.memref_squeeze %dma_start3A_211 : memref<1x8x4096xf32, #tpu.memory_space<vmem>> -> memref<8x4096xf32, #tpu.memory_space<vmem>>
    %dma_start3A_213 = arith.constant 40 : i32
    %dma_start3A_214 = tpu.memref_slice %arg5[%dma_start3A_213] : memref<64xi32, #tpu.memory_space<vmem>> -> memref<8xi32, #tpu.memory_space<vmem>>
    %dma_start3A_215 = arith.constant 0 : i32
    %dma_start3A_216 = arith.constant 0 : i32
    %dma_start3A_217 = tpu.memref_slice %arg2[%dma_start3A_215, %dma_start3A_216] : memref<2048x4096xf32, #tpu.memory_space<hbm>> -> memref<2048x4096xf32, #tpu.memory_space<hbm>>
    %dma_start3A_218 = tpu.memref_slice %arg7[%dma_start3A_208] : memref<3x!tpu.dma_semaphore, #tpu.memory_space<semaphore_mem>> -> memref<1x!tpu.dma_semaphore, #tpu.memory_space<semaphore_mem>>
    %dma_start3A_219 = tpu.memref_squeeze %dma_start3A_218 : memref<1x!tpu.dma_semaphore, #tpu.memory_space<semaphore_mem>> -> memref<!tpu.dma_semaphore, #tpu.memory_space<semaphore_mem>>
    tpu.enqueue_indirect_dma source(%dma_start3A_217 : memref<2048x4096xf32, #tpu.memory_space<hbm>>) target(%dma_start3A_212 : memref<8x4096xf32, #tpu.memory_space<vmem>>) offsets(%dma_start3A_214 : memref<8xi32, #tpu.memory_space<vmem>>) semaphore(%dma_start3A_219 : memref<!tpu.dma_semaphore, #tpu.memory_space<semaphore_mem>>)
    %dma_wait3A_220 = arith.constant 0 : i32
    %dma_wait3A_221 = arith.constant 0 : i32
    %dma_wait3A_222 = arith.constant 0 : i32
    %dma_wait3A_223 = arith.constant 0 : i32
    %dma_wait3A_224 = tpu.memref_slice %arg6[%dma_wait3A_220, %dma_wait3A_222, %dma_wait3A_223] : memref<3x8x4096xf32, #tpu.memory_space<vmem>> -> memref<1x8x4096xf32, #tpu.memory_space<vmem>>
    %dma_wait3A_225 = tpu.memref_squeeze %dma_wait3A_224 : memref<1x8x4096xf32, #tpu.memory_space<vmem>> -> memref<8x4096xf32, #tpu.memory_space<vmem>>
    %dma_wait3A_226 = arith.constant 24 : i32
    %dma_wait3A_227 = tpu.memref_slice %arg5[%dma_wait3A_226] : memref<64xi32, #tpu.memory_space<vmem>> -> memref<8xi32, #tpu.memory_space<vmem>>
    %dma_wait3A_228 = arith.constant 0 : i32
    %dma_wait3A_229 = arith.constant 0 : i32
    %dma_wait3A_230 = tpu.memref_slice %arg2[%dma_wait3A_228, %dma_wait3A_229] : memref<2048x4096xf32, #tpu.memory_space<hbm>> -> memref<2048x4096xf32, #tpu.memory_space<hbm>>
    %dma_wait3A_231 = tpu.memref_slice %arg7[%dma_wait3A_221] : memref<3x!tpu.dma_semaphore, #tpu.memory_space<semaphore_mem>> -> memref<1x!tpu.dma_semaphore, #tpu.memory_space<semaphore_mem>>
    %dma_wait3A_232 = tpu.memref_squeeze %dma_wait3A_231 : memref<1x!tpu.dma_semaphore, #tpu.memory_space<semaphore_mem>> -> memref<!tpu.dma_semaphore, #tpu.memory_space<semaphore_mem>>
    tpu.wait_indirect_dma semaphore(%dma_wait3A_232 : memref<!tpu.dma_semaphore, #tpu.memory_space<semaphore_mem>>) src(%dma_wait3A_230 : memref<2048x4096xf32, #tpu.memory_space<hbm>>) dst(%dma_wait3A_225 : memref<8x4096xf32, #tpu.memory_space<vmem>>)
    %add3A_233 = arith.constant 24 : i32
    %add3A_234 = arith.addi %mul3A_2, %add3A_233 : i32
    %dma_start3A_235 = arith.constant 0 : i32
    %dma_start3A_236 = arith.constant 0 : i32
    %dma_start3A_237 = arith.constant 0 : i32
    %dma_start3A_238 = arith.constant 0 : i32
    %dma_start3A_239 = tpu.memref_slice %arg6[%dma_start3A_235, %dma_start3A_237, %dma_start3A_238] : memref<3x8x4096xf32, #tpu.memory_space<vmem>> -> memref<1x8x4096xf32, #tpu.memory_space<vmem>>
    %dma_start3A_240 = tpu.memref_squeeze %dma_start3A_239 : memref<1x8x4096xf32, #tpu.memory_space<vmem>> -> memref<8x4096xf32, #tpu.memory_space<vmem>>
    %dma_start3A_241 = arith.constant 0 : i32
    %dma_start3A_242 = tpu.memref_slice %arg4[%add3A_234, %dma_start3A_241] : memref<2048x4096xf32, #tpu.memory_space<hbm>> -> memref<8x4096xf32, #tpu.memory_space<hbm>>
    %dma_start3A_243 = tpu.memref_slice %arg8[%dma_start3A_236] : memref<3x!tpu.dma_semaphore, #tpu.memory_space<semaphore_mem>> -> memref<1x!tpu.dma_semaphore, #tpu.memory_space<semaphore_mem>>
    %dma_start3A_244 = tpu.memref_squeeze %dma_start3A_243 : memref<1x!tpu.dma_semaphore, #tpu.memory_space<semaphore_mem>> -> memref<!tpu.dma_semaphore, #tpu.memory_space<semaphore_mem>>
    %dma_start3A_245 = arith.constant 0 : i32
    %dma_start3A_246 = tpu.memref_slice %arg4[%add3A_234, %dma_start3A_245] : memref<2048x4096xf32, #tpu.memory_space<hbm>> -> memref<8x4096xf32, #tpu.memory_space<hbm>>
    %dma_start3A_247 = arith.constant 0 : i32
    %dma_start3A_248 = arith.constant 0 : i32
    %dma_start3A_249 = tpu.memref_slice %arg6[%dma_start3A_235, %dma_start3A_247, %dma_start3A_248] : memref<3x8x4096xf32, #tpu.memory_space<vmem>> -> memref<1x8x4096xf32, #tpu.memory_space<vmem>>
    %dma_start3A_250 = tpu.memref_squeeze %dma_start3A_249 : memref<1x8x4096xf32, #tpu.memory_space<vmem>> -> memref<8x4096xf32, #tpu.memory_space<vmem>>
    tpu.enqueue_dma source(%dma_start3A_250 : memref<8x4096xf32, #tpu.memory_space<vmem>>) target(%dma_start3A_246 : memref<8x4096xf32, #tpu.memory_space<hbm>>) target_semaphore(%dma_start3A_244 : memref<!tpu.dma_semaphore, #tpu.memory_space<semaphore_mem>>)
    %dma_wait3A_251 = arith.constant 0 : i32
    %dma_wait3A_252 = arith.constant 0 : i32
    %dma_wait3A_253 = arith.constant 0 : i32
    %dma_wait3A_254 = arith.constant 0 : i32
    %dma_wait3A_255 = tpu.memref_slice %arg6[%dma_wait3A_251, %dma_wait3A_253, %dma_wait3A_254] : memref<3x8x4096xf32, #tpu.memory_space<vmem>> -> memref<1x8x4096xf32, #tpu.memory_space<vmem>>
    %dma_wait3A_256 = tpu.memref_squeeze %dma_wait3A_255 : memref<1x8x4096xf32, #tpu.memory_space<vmem>> -> memref<8x4096xf32, #tpu.memory_space<vmem>>
    %dma_wait3A_257 = arith.constant 0 : i32
    %dma_wait3A_258 = tpu.memref_slice %arg4[%add3A_234, %dma_wait3A_257] : memref<2048x4096xf32, #tpu.memory_space<hbm>> -> memref<8x4096xf32, #tpu.memory_space<hbm>>
    %dma_wait3A_259 = tpu.memref_slice %arg8[%dma_wait3A_252] : memref<3x!tpu.dma_semaphore, #tpu.memory_space<semaphore_mem>> -> memref<1x!tpu.dma_semaphore, #tpu.memory_space<semaphore_mem>>
    %dma_wait3A_260 = tpu.memref_squeeze %dma_wait3A_259 : memref<1x!tpu.dma_semaphore, #tpu.memory_space<semaphore_mem>> -> memref<!tpu.dma_semaphore, #tpu.memory_space<semaphore_mem>>
    %dma_wait3A_261 = arith.constant 0 : i32
    %dma_wait3A_262 = tpu.memref_slice %arg4[%add3A_234, %dma_wait3A_261] : memref<2048x4096xf32, #tpu.memory_space<hbm>> -> memref<8x4096xf32, #tpu.memory_space<hbm>>
    %dma_wait3A_263 = arith.constant 0 : i32
    %dma_wait3A_264 = arith.constant 0 : i32
    %dma_wait3A_265 = tpu.memref_slice %arg6[%dma_wait3A_251, %dma_wait3A_263, %dma_wait3A_264] : memref<3x8x4096xf32, #tpu.memory_space<vmem>> -> memref<1x8x4096xf32, #tpu.memory_space<vmem>>
    %dma_wait3A_266 = tpu.memref_squeeze %dma_wait3A_265 : memref<1x8x4096xf32, #tpu.memory_space<vmem>> -> memref<8x4096xf32, #tpu.memory_space<vmem>>
    tpu.wait_dma2 semaphore(%dma_wait3A_260 : memref<!tpu.dma_semaphore, #tpu.memory_space<semaphore_mem>>) src(%dma_wait3A_266 : memref<8x4096xf32, #tpu.memory_space<vmem>>) dst(%dma_wait3A_262 : memref<8x4096xf32, #tpu.memory_space<hbm>>)
    %dma_start3A_267 = arith.constant 0 : i32
    %dma_start3A_268 = arith.constant 0 : i32
    %dma_start3A_269 = arith.constant 0 : i32
    %dma_start3A_270 = arith.constant 0 : i32
    %dma_start3A_271 = tpu.memref_slice %arg6[%dma_start3A_267, %dma_start3A_269, %dma_start3A_270] : memref<3x8x4096xf32, #tpu.memory_space<vmem>> -> memref<1x8x4096xf32, #tpu.memory_space<vmem>>
    %dma_start3A_272 = tpu.memref_squeeze %dma_start3A_271 : memref<1x8x4096xf32, #tpu.memory_space<vmem>> -> memref<8x4096xf32, #tpu.memory_space<vmem>>
    %dma_start3A_273 = arith.constant 48 : i32
    %dma_start3A_274 = tpu.memref_slice %arg5[%dma_start3A_273] : memref<64xi32, #tpu.memory_space<vmem>> -> memref<8xi32, #tpu.memory_space<vmem>>
    %dma_start3A_275 = arith.constant 0 : i32
    %dma_start3A_276 = arith.constant 0 : i32
    %dma_start3A_277 = tpu.memref_slice %arg2[%dma_start3A_275, %dma_start3A_276] : memref<2048x4096xf32, #tpu.memory_space<hbm>> -> memref<2048x4096xf32, #tpu.memory_space<hbm>>
    %dma_start3A_278 = tpu.memref_slice %arg7[%dma_start3A_268] : memref<3x!tpu.dma_semaphore, #tpu.memory_space<semaphore_mem>> -> memref<1x!tpu.dma_semaphore, #tpu.memory_space<semaphore_mem>>
    %dma_start3A_279 = tpu.memref_squeeze %dma_start3A_278 : memref<1x!tpu.dma_semaphore, #tpu.memory_space<semaphore_mem>> -> memref<!tpu.dma_semaphore, #tpu.memory_space<semaphore_mem>>
    tpu.enqueue_indirect_dma source(%dma_start3A_277 : memref<2048x4096xf32, #tpu.memory_space<hbm>>) target(%dma_start3A_272 : memref<8x4096xf32, #tpu.memory_space<vmem>>) offsets(%dma_start3A_274 : memref<8xi32, #tpu.memory_space<vmem>>) semaphore(%dma_start3A_279 : memref<!tpu.dma_semaphore, #tpu.memory_space<semaphore_mem>>)
    %dma_wait3A_280 = arith.constant 1 : i32
    %dma_wait3A_281 = arith.constant 1 : i32
    %dma_wait3A_282 = arith.constant 0 : i32
    %dma_wait3A_283 = arith.constant 0 : i32
    %dma_wait3A_284 = tpu.memref_slice %arg6[%dma_wait3A_280, %dma_wait3A_282, %dma_wait3A_283] : memref<3x8x4096xf32, #tpu.memory_space<vmem>> -> memref<1x8x4096xf32, #tpu.memory_space<vmem>>
    %dma_wait3A_285 = tpu.memref_squeeze %dma_wait3A_284 : memref<1x8x4096xf32, #tpu.memory_space<vmem>> -> memref<8x4096xf32, #tpu.memory_space<vmem>>
    %dma_wait3A_286 = arith.constant 32 : i32
    %dma_wait3A_287 = tpu.memref_slice %arg5[%dma_wait3A_286] : memref<64xi32, #tpu.memory_space<vmem>> -> memref<8xi32, #tpu.memory_space<vmem>>
    %dma_wait3A_288 = arith.constant 0 : i32
    %dma_wait3A_289 = arith.constant 0 : i32
    %dma_wait3A_290 = tpu.memref_slice %arg2[%dma_wait3A_288, %dma_wait3A_289] : memref<2048x4096xf32, #tpu.memory_space<hbm>> -> memref<2048x4096xf32, #tpu.memory_space<hbm>>
    %dma_wait3A_291 = tpu.memref_slice %arg7[%dma_wait3A_281] : memref<3x!tpu.dma_semaphore, #tpu.memory_space<semaphore_mem>> -> memref<1x!tpu.dma_semaphore, #tpu.memory_space<semaphore_mem>>
    %dma_wait3A_292 = tpu.memref_squeeze %dma_wait3A_291 : memref<1x!tpu.dma_semaphore, #tpu.memory_space<semaphore_mem>> -> memref<!tpu.dma_semaphore, #tpu.memory_space<semaphore_mem>>
    tpu.wait_indirect_dma semaphore(%dma_wait3A_292 : memref<!tpu.dma_semaphore, #tpu.memory_space<semaphore_mem>>) src(%dma_wait3A_290 : memref<2048x4096xf32, #tpu.memory_space<hbm>>) dst(%dma_wait3A_285 : memref<8x4096xf32, #tpu.memory_space<vmem>>)
    %add3A_293 = arith.constant 32 : i32
    %add3A_294 = arith.addi %mul3A_2, %add3A_293 : i32
    %dma_start3A_295 = arith.constant 1 : i32
    %dma_start3A_296 = arith.constant 1 : i32
    %dma_start3A_297 = arith.constant 0 : i32
    %dma_start3A_298 = arith.constant 0 : i32
    %dma_start3A_299 = tpu.memref_slice %arg6[%dma_start3A_295, %dma_start3A_297, %dma_start3A_298] : memref<3x8x4096xf32, #tpu.memory_space<vmem>> -> memref<1x8x4096xf32, #tpu.memory_space<vmem>>
    %dma_start3A_300 = tpu.memref_squeeze %dma_start3A_299 : memref<1x8x4096xf32, #tpu.memory_space<vmem>> -> memref<8x4096xf32, #tpu.memory_space<vmem>>
    %dma_start3A_301 = arith.constant 0 : i32
    %dma_start3A_302 = tpu.memref_slice %arg4[%add3A_294, %dma_start3A_301] : memref<2048x4096xf32, #tpu.memory_space<hbm>> -> memref<8x4096xf32, #tpu.memory_space<hbm>>
    %dma_start3A_303 = tpu.memref_slice %arg8[%dma_start3A_296] : memref<3x!tpu.dma_semaphore, #tpu.memory_space<semaphore_mem>> -> memref<1x!tpu.dma_semaphore, #tpu.memory_space<semaphore_mem>>
    %dma_start3A_304 = tpu.memref_squeeze %dma_start3A_303 : memref<1x!tpu.dma_semaphore, #tpu.memory_space<semaphore_mem>> -> memref<!tpu.dma_semaphore, #tpu.memory_space<semaphore_mem>>
    %dma_start3A_305 = arith.constant 0 : i32
    %dma_start3A_306 = tpu.memref_slice %arg4[%add3A_294, %dma_start3A_305] : memref<2048x4096xf32, #tpu.memory_space<hbm>> -> memref<8x4096xf32, #tpu.memory_space<hbm>>
    %dma_start3A_307 = arith.constant 0 : i32
    %dma_start3A_308 = arith.constant 0 : i32
    %dma_start3A_309 = tpu.memref_slice %arg6[%dma_start3A_295, %dma_start3A_307, %dma_start3A_308] : memref<3x8x4096xf32, #tpu.memory_space<vmem>> -> memref<1x8x4096xf32, #tpu.memory_space<vmem>>
    %dma_start3A_310 = tpu.memref_squeeze %dma_start3A_309 : memref<1x8x4096xf32, #tpu.memory_space<vmem>> -> memref<8x4096xf32, #tpu.memory_space<vmem>>
    tpu.enqueue_dma source(%dma_start3A_310 : memref<8x4096xf32, #tpu.memory_space<vmem>>) target(%dma_start3A_306 : memref<8x4096xf32, #tpu.memory_space<hbm>>) target_semaphore(%dma_start3A_304 : memref<!tpu.dma_semaphore, #tpu.memory_space<semaphore_mem>>)
    %dma_wait3A_311 = arith.constant 1 : i32
    %dma_wait3A_312 = arith.constant 1 : i32
    %dma_wait3A_313 = arith.constant 0 : i32
    %dma_wait3A_314 = arith.constant 0 : i32
    %dma_wait3A_315 = tpu.memref_slice %arg6[%dma_wait3A_311, %dma_wait3A_313, %dma_wait3A_314] : memref<3x8x4096xf32, #tpu.memory_space<vmem>> -> memref<1x8x4096xf32, #tpu.memory_space<vmem>>
    %dma_wait3A_316 = tpu.memref_squeeze %dma_wait3A_315 : memref<1x8x4096xf32, #tpu.memory_space<vmem>> -> memref<8x4096xf32, #tpu.memory_space<vmem>>
    %dma_wait3A_317 = arith.constant 0 : i32
    %dma_wait3A_318 = tpu.memref_slice %arg4[%add3A_294, %dma_wait3A_317] : memref<2048x4096xf32, #tpu.memory_space<hbm>> -> memref<8x4096xf32, #tpu.memory_space<hbm>>
    %dma_wait3A_319 = tpu.memref_slice %arg8[%dma_wait3A_312] : memref<3x!tpu.dma_semaphore, #tpu.memory_space<semaphore_mem>> -> memref<1x!tpu.dma_semaphore, #tpu.memory_space<semaphore_mem>>
    %dma_wait3A_320 = tpu.memref_squeeze %dma_wait3A_319 : memref<1x!tpu.dma_semaphore, #tpu.memory_space<semaphore_mem>> -> memref<!tpu.dma_semaphore, #tpu.memory_space<semaphore_mem>>
    %dma_wait3A_321 = arith.constant 0 : i32
    %dma_wait3A_322 = tpu.memref_slice %arg4[%add3A_294, %dma_wait3A_321] : memref<2048x4096xf32, #tpu.memory_space<hbm>> -> memref<8x4096xf32, #tpu.memory_space<hbm>>
    %dma_wait3A_323 = arith.constant 0 : i32
    %dma_wait3A_324 = arith.constant 0 : i32
    %dma_wait3A_325 = tpu.memref_slice %arg6[%dma_wait3A_311, %dma_wait3A_323, %dma_wait3A_324] : memref<3x8x4096xf32, #tpu.memory_space<vmem>> -> memref<1x8x4096xf32, #tpu.memory_space<vmem>>
    %dma_wait3A_326 = tpu.memref_squeeze %dma_wait3A_325 : memref<1x8x4096xf32, #tpu.memory_space<vmem>> -> memref<8x4096xf32, #tpu.memory_space<vmem>>
    tpu.wait_dma2 semaphore(%dma_wait3A_320 : memref<!tpu.dma_semaphore, #tpu.memory_space<semaphore_mem>>) src(%dma_wait3A_326 : memref<8x4096xf32, #tpu.memory_space<vmem>>) dst(%dma_wait3A_322 : memref<8x4096xf32, #tpu.memory_space<hbm>>)
    %dma_start3A_327 = arith.constant 1 : i32
    %dma_start3A_328 = arith.constant 1 : i32
    %dma_start3A_329 = arith.constant 0 : i32
    %dma_start3A_330 = arith.constant 0 : i32
    %dma_start3A_331 = tpu.memref_slice %arg6[%dma_start3A_327, %dma_start3A_329, %dma_start3A_330] : memref<3x8x4096xf32, #tpu.memory_space<vmem>> -> memref<1x8x4096xf32, #tpu.memory_space<vmem>>
    %dma_start3A_332 = tpu.memref_squeeze %dma_start3A_331 : memref<1x8x4096xf32, #tpu.memory_space<vmem>> -> memref<8x4096xf32, #tpu.memory_space<vmem>>
    %dma_start3A_333 = arith.constant 56 : i32
    %dma_start3A_334 = tpu.memref_slice %arg5[%dma_start3A_333] : memref<64xi32, #tpu.memory_space<vmem>> -> memref<8xi32, #tpu.memory_space<vmem>>
    %dma_start3A_335 = arith.constant 0 : i32
    %dma_start3A_336 = arith.constant 0 : i32
    %dma_start3A_337 = tpu.memref_slice %arg2[%dma_start3A_335, %dma_start3A_336] : memref<2048x4096xf32, #tpu.memory_space<hbm>> -> memref<2048x4096xf32, #tpu.memory_space<hbm>>
    %dma_start3A_338 = tpu.memref_slice %arg7[%dma_start3A_328] : memref<3x!tpu.dma_semaphore, #tpu.memory_space<semaphore_mem>> -> memref<1x!tpu.dma_semaphore, #tpu.memory_space<semaphore_mem>>
    %dma_start3A_339 = tpu.memref_squeeze %dma_start3A_338 : memref<1x!tpu.dma_semaphore, #tpu.memory_space<semaphore_mem>> -> memref<!tpu.dma_semaphore, #tpu.memory_space<semaphore_mem>>
    tpu.enqueue_indirect_dma source(%dma_start3A_337 : memref<2048x4096xf32, #tpu.memory_space<hbm>>) target(%dma_start3A_332 : memref<8x4096xf32, #tpu.memory_space<vmem>>) offsets(%dma_start3A_334 : memref<8xi32, #tpu.memory_space<vmem>>) semaphore(%dma_start3A_339 : memref<!tpu.dma_semaphore, #tpu.memory_space<semaphore_mem>>)
    %dma_wait3A_340 = arith.constant 2 : i32
    %dma_wait3A_341 = arith.constant 2 : i32
    %dma_wait3A_342 = arith.constant 0 : i32
    %dma_wait3A_343 = arith.constant 0 : i32
    %dma_wait3A_344 = tpu.memref_slice %arg6[%dma_wait3A_340, %dma_wait3A_342, %dma_wait3A_343] : memref<3x8x4096xf32, #tpu.memory_space<vmem>> -> memref<1x8x4096xf32, #tpu.memory_space<vmem>>
    %dma_wait3A_345 = tpu.memref_squeeze %dma_wait3A_344 : memref<1x8x4096xf32, #tpu.memory_space<vmem>> -> memref<8x4096xf32, #tpu.memory_space<vmem>>
    %dma_wait3A_346 = arith.constant 40 : i32
    %dma_wait3A_347 = tpu.memref_slice %arg5[%dma_wait3A_346] : memref<64xi32, #tpu.memory_space<vmem>> -> memref<8xi32, #tpu.memory_space<vmem>>
    %dma_wait3A_348 = arith.constant 0 : i32
    %dma_wait3A_349 = arith.constant 0 : i32
    %dma_wait3A_350 = tpu.memref_slice %arg2[%dma_wait3A_348, %dma_wait3A_349] : memref<2048x4096xf32, #tpu.memory_space<hbm>> -> memref<2048x4096xf32, #tpu.memory_space<hbm>>
    %dma_wait3A_351 = tpu.memref_slice %arg7[%dma_wait3A_341] : memref<3x!tpu.dma_semaphore, #tpu.memory_space<semaphore_mem>> -> memref<1x!tpu.dma_semaphore, #tpu.memory_space<semaphore_mem>>
    %dma_wait3A_352 = tpu.memref_squeeze %dma_wait3A_351 : memref<1x!tpu.dma_semaphore, #tpu.memory_space<semaphore_mem>> -> memref<!tpu.dma_semaphore, #tpu.memory_space<semaphore_mem>>
    tpu.wait_indirect_dma semaphore(%dma_wait3A_352 : memref<!tpu.dma_semaphore, #tpu.memory_space<semaphore_mem>>) src(%dma_wait3A_350 : memref<2048x4096xf32, #tpu.memory_space<hbm>>) dst(%dma_wait3A_345 : memref<8x4096xf32, #tpu.memory_space<vmem>>)
    %add3A_353 = arith.constant 40 : i32
    %add3A_354 = arith.addi %mul3A_2, %add3A_353 : i32
    %dma_start3A_355 = arith.constant 2 : i32
    %dma_start3A_356 = arith.constant 2 : i32
    %dma_start3A_357 = arith.constant 0 : i32
    %dma_start3A_358 = arith.constant 0 : i32
    %dma_start3A_359 = tpu.memref_slice %arg6[%dma_start3A_355, %dma_start3A_357, %dma_start3A_358] : memref<3x8x4096xf32, #tpu.memory_space<vmem>> -> memref<1x8x4096xf32, #tpu.memory_space<vmem>>
    %dma_start3A_360 = tpu.memref_squeeze %dma_start3A_359 : memref<1x8x4096xf32, #tpu.memory_space<vmem>> -> memref<8x4096xf32, #tpu.memory_space<vmem>>
    %dma_start3A_361 = arith.constant 0 : i32
    %dma_start3A_362 = tpu.memref_slice %arg4[%add3A_354, %dma_start3A_361] : memref<2048x4096xf32, #tpu.memory_space<hbm>> -> memref<8x4096xf32, #tpu.memory_space<hbm>>
    %dma_start3A_363 = tpu.memref_slice %arg8[%dma_start3A_356] : memref<3x!tpu.dma_semaphore, #tpu.memory_space<semaphore_mem>> -> memref<1x!tpu.dma_semaphore, #tpu.memory_space<semaphore_mem>>
    %dma_start3A_364 = tpu.memref_squeeze %dma_start3A_363 : memref<1x!tpu.dma_semaphore, #tpu.memory_space<semaphore_mem>> -> memref<!tpu.dma_semaphore, #tpu.memory_space<semaphore_mem>>
    %dma_start3A_365 = arith.constant 0 : i32
    %dma_start3A_366 = tpu.memref_slice %arg4[%add3A_354, %dma_start3A_365] : memref<2048x4096xf32, #tpu.memory_space<hbm>> -> memref<8x4096xf32, #tpu.memory_space<hbm>>
    %dma_start3A_367 = arith.constant 0 : i32
    %dma_start3A_368 = arith.constant 0 : i32
    %dma_start3A_369 = tpu.memref_slice %arg6[%dma_start3A_355, %dma_start3A_367, %dma_start3A_368] : memref<3x8x4096xf32, #tpu.memory_space<vmem>> -> memref<1x8x4096xf32, #tpu.memory_space<vmem>>
    %dma_start3A_370 = tpu.memref_squeeze %dma_start3A_369 : memref<1x8x4096xf32, #tpu.memory_space<vmem>> -> memref<8x4096xf32, #tpu.memory_space<vmem>>
    tpu.enqueue_dma source(%dma_start3A_370 : memref<8x4096xf32, #tpu.memory_space<vmem>>) target(%dma_start3A_366 : memref<8x4096xf32, #tpu.memory_space<hbm>>) target_semaphore(%dma_start3A_364 : memref<!tpu.dma_semaphore, #tpu.memory_space<semaphore_mem>>)
    %dma_wait3A_371 = arith.constant 0 : i32
    %dma_wait3A_372 = arith.constant 0 : i32
    %dma_wait3A_373 = arith.constant 0 : i32
    %dma_wait3A_374 = arith.constant 0 : i32
    %dma_wait3A_375 = tpu.memref_slice %arg6[%dma_wait3A_371, %dma_wait3A_373, %dma_wait3A_374] : memref<3x8x4096xf32, #tpu.memory_space<vmem>> -> memref<1x8x4096xf32, #tpu.memory_space<vmem>>
    %dma_wait3A_376 = tpu.memref_squeeze %dma_wait3A_375 : memref<1x8x4096xf32, #tpu.memory_space<vmem>> -> memref<8x4096xf32, #tpu.memory_space<vmem>>
    %dma_wait3A_377 = arith.constant 48 : i32
    %dma_wait3A_378 = tpu.memref_slice %arg5[%dma_wait3A_377] : memref<64xi32, #tpu.memory_space<vmem>> -> memref<8xi32, #tpu.memory_space<vmem>>
    %dma_wait3A_379 = arith.constant 0 : i32
    %dma_wait3A_380 = arith.constant 0 : i32
    %dma_wait3A_381 = tpu.memref_slice %arg2[%dma_wait3A_379, %dma_wait3A_380] : memref<2048x4096xf32, #tpu.memory_space<hbm>> -> memref<2048x4096xf32, #tpu.memory_space<hbm>>
    %dma_wait3A_382 = tpu.memref_slice %arg7[%dma_wait3A_372] : memref<3x!tpu.dma_semaphore, #tpu.memory_space<semaphore_mem>> -> memref<1x!tpu.dma_semaphore, #tpu.memory_space<semaphore_mem>>
    %dma_wait3A_383 = tpu.memref_squeeze %dma_wait3A_382 : memref<1x!tpu.dma_semaphore, #tpu.memory_space<semaphore_mem>> -> memref<!tpu.dma_semaphore, #tpu.memory_space<semaphore_mem>>
    tpu.wait_indirect_dma semaphore(%dma_wait3A_383 : memref<!tpu.dma_semaphore, #tpu.memory_space<semaphore_mem>>) src(%dma_wait3A_381 : memref<2048x4096xf32, #tpu.memory_space<hbm>>) dst(%dma_wait3A_376 : memref<8x4096xf32, #tpu.memory_space<vmem>>)
    %add3A_384 = arith.constant 48 : i32
    %add3A_385 = arith.addi %mul3A_2, %add3A_384 : i32
    %dma_start3A_386 = arith.constant 0 : i32
    %dma_start3A_387 = arith.constant 0 : i32
    %dma_start3A_388 = arith.constant 0 : i32
    %dma_start3A_389 = arith.constant 0 : i32
    %dma_start3A_390 = tpu.memref_slice %arg6[%dma_start3A_386, %dma_start3A_388, %dma_start3A_389] : memref<3x8x4096xf32, #tpu.memory_space<vmem>> -> memref<1x8x4096xf32, #tpu.memory_space<vmem>>
    %dma_start3A_391 = tpu.memref_squeeze %dma_start3A_390 : memref<1x8x4096xf32, #tpu.memory_space<vmem>> -> memref<8x4096xf32, #tpu.memory_space<vmem>>
    %dma_start3A_392 = arith.constant 0 : i32
    %dma_start3A_393 = tpu.memref_slice %arg4[%add3A_385, %dma_start3A_392] : memref<2048x4096xf32, #tpu.memory_space<hbm>> -> memref<8x4096xf32, #tpu.memory_space<hbm>>
    %dma_start3A_394 = tpu.memref_slice %arg8[%dma_start3A_387] : memref<3x!tpu.dma_semaphore, #tpu.memory_space<semaphore_mem>> -> memref<1x!tpu.dma_semaphore, #tpu.memory_space<semaphore_mem>>
    %dma_start3A_395 = tpu.memref_squeeze %dma_start3A_394 : memref<1x!tpu.dma_semaphore, #tpu.memory_space<semaphore_mem>> -> memref<!tpu.dma_semaphore, #tpu.memory_space<semaphore_mem>>
    %dma_start3A_396 = arith.constant 0 : i32
    %dma_start3A_397 = tpu.memref_slice %arg4[%add3A_385, %dma_start3A_396] : memref<2048x4096xf32, #tpu.memory_space<hbm>> -> memref<8x4096xf32, #tpu.memory_space<hbm>>
    %dma_start3A_398 = arith.constant 0 : i32
    %dma_start3A_399 = arith.constant 0 : i32
    %dma_start3A_400 = tpu.memref_slice %arg6[%dma_start3A_386, %dma_start3A_398, %dma_start3A_399] : memref<3x8x4096xf32, #tpu.memory_space<vmem>> -> memref<1x8x4096xf32, #tpu.memory_space<vmem>>
    %dma_start3A_401 = tpu.memref_squeeze %dma_start3A_400 : memref<1x8x4096xf32, #tpu.memory_space<vmem>> -> memref<8x4096xf32, #tpu.memory_space<vmem>>
    tpu.enqueue_dma source(%dma_start3A_401 : memref<8x4096xf32, #tpu.memory_space<vmem>>) target(%dma_start3A_397 : memref<8x4096xf32, #tpu.memory_space<hbm>>) target_semaphore(%dma_start3A_395 : memref<!tpu.dma_semaphore, #tpu.memory_space<semaphore_mem>>)
    %dma_wait3A_402 = arith.constant 1 : i32
    %dma_wait3A_403 = arith.constant 1 : i32
    %dma_wait3A_404 = arith.constant 0 : i32
    %dma_wait3A_405 = arith.constant 0 : i32
    %dma_wait3A_406 = tpu.memref_slice %arg6[%dma_wait3A_402, %dma_wait3A_404, %dma_wait3A_405] : memref<3x8x4096xf32, #tpu.memory_space<vmem>> -> memref<1x8x4096xf32, #tpu.memory_space<vmem>>
    %dma_wait3A_407 = tpu.memref_squeeze %dma_wait3A_406 : memref<1x8x4096xf32, #tpu.memory_space<vmem>> -> memref<8x4096xf32, #tpu.memory_space<vmem>>
    %dma_wait3A_408 = arith.constant 56 : i32
    %dma_wait3A_409 = tpu.memref_slice %arg5[%dma_wait3A_408] : memref<64xi32, #tpu.memory_space<vmem>> -> memref<8xi32, #tpu.memory_space<vmem>>
    %dma_wait3A_410 = arith.constant 0 : i32
    %dma_wait3A_411 = arith.constant 0 : i32
    %dma_wait3A_412 = tpu.memref_slice %arg2[%dma_wait3A_410, %dma_wait3A_411] : memref<2048x4096xf32, #tpu.memory_space<hbm>> -> memref<2048x4096xf32, #tpu.memory_space<hbm>>
    %dma_wait3A_413 = tpu.memref_slice %arg7[%dma_wait3A_403] : memref<3x!tpu.dma_semaphore, #tpu.memory_space<semaphore_mem>> -> memref<1x!tpu.dma_semaphore, #tpu.memory_space<semaphore_mem>>
    %dma_wait3A_414 = tpu.memref_squeeze %dma_wait3A_413 : memref<1x!tpu.dma_semaphore, #tpu.memory_space<semaphore_mem>> -> memref<!tpu.dma_semaphore, #tpu.memory_space<semaphore_mem>>
    tpu.wait_indirect_dma semaphore(%dma_wait3A_414 : memref<!tpu.dma_semaphore, #tpu.memory_space<semaphore_mem>>) src(%dma_wait3A_412 : memref<2048x4096xf32, #tpu.memory_space<hbm>>) dst(%dma_wait3A_407 : memref<8x4096xf32, #tpu.memory_space<vmem>>)
    %add3A_415 = arith.constant 56 : i32
    %add3A_416 = arith.addi %mul3A_2, %add3A_415 : i32
    %dma_start3A_417 = arith.constant 1 : i32
    %dma_start3A_418 = arith.constant 1 : i32
    %dma_start3A_419 = arith.constant 0 : i32
    %dma_start3A_420 = arith.constant 0 : i32
    %dma_start3A_421 = tpu.memref_slice %arg6[%dma_start3A_417, %dma_start3A_419, %dma_start3A_420] : memref<3x8x4096xf32, #tpu.memory_space<vmem>> -> memref<1x8x4096xf32, #tpu.memory_space<vmem>>
    %dma_start3A_422 = tpu.memref_squeeze %dma_start3A_421 : memref<1x8x4096xf32, #tpu.memory_space<vmem>> -> memref<8x4096xf32, #tpu.memory_space<vmem>>
    %dma_start3A_423 = arith.constant 0 : i32
    %dma_start3A_424 = tpu.memref_slice %arg4[%add3A_416, %dma_start3A_423] : memref<2048x4096xf32, #tpu.memory_space<hbm>> -> memref<8x4096xf32, #tpu.memory_space<hbm>>
    %dma_start3A_425 = tpu.memref_slice %arg8[%dma_start3A_418] : memref<3x!tpu.dma_semaphore, #tpu.memory_space<semaphore_mem>> -> memref<1x!tpu.dma_semaphore, #tpu.memory_space<semaphore_mem>>
    %dma_start3A_426 = tpu.memref_squeeze %dma_start3A_425 : memref<1x!tpu.dma_semaphore, #tpu.memory_space<semaphore_mem>> -> memref<!tpu.dma_semaphore, #tpu.memory_space<semaphore_mem>>
    %dma_start3A_427 = arith.constant 0 : i32
    %dma_start3A_428 = tpu.memref_slice %arg4[%add3A_416, %dma_start3A_427] : memref<2048x4096xf32, #tpu.memory_space<hbm>> -> memref<8x4096xf32, #tpu.memory_space<hbm>>
    %dma_start3A_429 = arith.constant 0 : i32
    %dma_start3A_430 = arith.constant 0 : i32
    %dma_start3A_431 = tpu.memref_slice %arg6[%dma_start3A_417, %dma_start3A_429, %dma_start3A_430] : memref<3x8x4096xf32, #tpu.memory_space<vmem>> -> memref<1x8x4096xf32, #tpu.memory_space<vmem>>
    %dma_start3A_432 = tpu.memref_squeeze %dma_start3A_431 : memref<1x8x4096xf32, #tpu.memory_space<vmem>> -> memref<8x4096xf32, #tpu.memory_space<vmem>>
    tpu.enqueue_dma source(%dma_start3A_432 : memref<8x4096xf32, #tpu.memory_space<vmem>>) target(%dma_start3A_428 : memref<8x4096xf32, #tpu.memory_space<hbm>>) target_semaphore(%dma_start3A_426 : memref<!tpu.dma_semaphore, #tpu.memory_space<semaphore_mem>>)
    %dma_wait3A_433 = arith.constant 2 : i32
    %dma_wait3A_434 = arith.constant 2 : i32
    %dma_wait3A_435 = arith.constant 0 : i32
    %dma_wait3A_436 = arith.constant 0 : i32
    %dma_wait3A_437 = tpu.memref_slice %arg6[%dma_wait3A_433, %dma_wait3A_435, %dma_wait3A_436] : memref<3x8x4096xf32, #tpu.memory_space<vmem>> -> memref<1x8x4096xf32, #tpu.memory_space<vmem>>
    %dma_wait3A_438 = tpu.memref_squeeze %dma_wait3A_437 : memref<1x8x4096xf32, #tpu.memory_space<vmem>> -> memref<8x4096xf32, #tpu.memory_space<vmem>>
    %dma_wait3A_439 = arith.constant 0 : i32
    %dma_wait3A_440 = tpu.memref_slice %arg4[%add3A_354, %dma_wait3A_439] : memref<2048x4096xf32, #tpu.memory_space<hbm>> -> memref<8x4096xf32, #tpu.memory_space<hbm>>
    %dma_wait3A_441 = tpu.memref_slice %arg8[%dma_wait3A_434] : memref<3x!tpu.dma_semaphore, #tpu.memory_space<semaphore_mem>> -> memref<1x!tpu.dma_semaphore, #tpu.memory_space<semaphore_mem>>
    %dma_wait3A_442 = tpu.memref_squeeze %dma_wait3A_441 : memref<1x!tpu.dma_semaphore, #tpu.memory_space<semaphore_mem>> -> memref<!tpu.dma_semaphore, #tpu.memory_space<semaphore_mem>>
    %dma_wait3A_443 = arith.constant 0 : i32
    %dma_wait3A_444 = tpu.memref_slice %arg4[%add3A_354, %dma_wait3A_443] : memref<2048x4096xf32, #tpu.memory_space<hbm>> -> memref<8x4096xf32, #tpu.memory_space<hbm>>
    %dma_wait3A_445 = arith.constant 0 : i32
    %dma_wait3A_446 = arith.constant 0 : i32
    %dma_wait3A_447 = tpu.memref_slice %arg6[%dma_wait3A_433, %dma_wait3A_445, %dma_wait3A_446] : memref<3x8x4096xf32, #tpu.memory_space<vmem>> -> memref<1x8x4096xf32, #tpu.memory_space<vmem>>
    %dma_wait3A_448 = tpu.memref_squeeze %dma_wait3A_447 : memref<1x8x4096xf32, #tpu.memory_space<vmem>> -> memref<8x4096xf32, #tpu.memory_space<vmem>>
    tpu.wait_dma2 semaphore(%dma_wait3A_442 : memref<!tpu.dma_semaphore, #tpu.memory_space<semaphore_mem>>) src(%dma_wait3A_448 : memref<8x4096xf32, #tpu.memory_space<vmem>>) dst(%dma_wait3A_444 : memref<8x4096xf32, #tpu.memory_space<hbm>>)
    %dma_wait3A_449 = arith.constant 0 : i32
    %dma_wait3A_450 = arith.constant 0 : i32
    %dma_wait3A_451 = arith.constant 0 : i32
    %dma_wait3A_452 = arith.constant 0 : i32
    %dma_wait3A_453 = tpu.memref_slice %arg6[%dma_wait3A_449, %dma_wait3A_451, %dma_wait3A_452] : memref<3x8x4096xf32, #tpu.memory_space<vmem>> -> memref<1x8x4096xf32, #tpu.memory_space<vmem>>
    %dma_wait3A_454 = tpu.memref_squeeze %dma_wait3A_453 : memref<1x8x4096xf32, #tpu.memory_space<vmem>> -> memref<8x4096xf32, #tpu.memory_space<vmem>>
    %dma_wait3A_455 = arith.constant 0 : i32
    %dma_wait3A_456 = tpu.memref_slice %arg4[%add3A_385, %dma_wait3A_455] : memref<2048x4096xf32, #tpu.memory_space<hbm>> -> memref<8x4096xf32, #tpu.memory_space<hbm>>
    %dma_wait3A_457 = tpu.memref_slice %arg8[%dma_wait3A_450] : memref<3x!tpu.dma_semaphore, #tpu.memory_space<semaphore_mem>> -> memref<1x!tpu.dma_semaphore, #tpu.memory_space<semaphore_mem>>
    %dma_wait3A_458 = tpu.memref_squeeze %dma_wait3A_457 : memref<1x!tpu.dma_semaphore, #tpu.memory_space<semaphore_mem>> -> memref<!tpu.dma_semaphore, #tpu.memory_space<semaphore_mem>>
    %dma_wait3A_459 = arith.constant 0 : i32
    %dma_wait3A_460 = tpu.memref_slice %arg4[%add3A_385, %dma_wait3A_459] : memref<2048x4096xf32, #tpu.memory_space<hbm>> -> memref<8x4096xf32, #tpu.memory_space<hbm>>
    %dma_wait3A_461 = arith.constant 0 : i32
    %dma_wait3A_462 = arith.constant 0 : i32
    %dma_wait3A_463 = tpu.memref_slice %arg6[%dma_wait3A_449, %dma_wait3A_461, %dma_wait3A_462] : memref<3x8x4096xf32, #tpu.memory_space<vmem>> -> memref<1x8x4096xf32, #tpu.memory_space<vmem>>
    %dma_wait3A_464 = tpu.memref_squeeze %dma_wait3A_463 : memref<1x8x4096xf32, #tpu.memory_space<vmem>> -> memref<8x4096xf32, #tpu.memory_space<vmem>>
    tpu.wait_dma2 semaphore(%dma_wait3A_458 : memref<!tpu.dma_semaphore, #tpu.memory_space<semaphore_mem>>) src(%dma_wait3A_464 : memref<8x4096xf32, #tpu.memory_space<vmem>>) dst(%dma_wait3A_460 : memref<8x4096xf32, #tpu.memory_space<hbm>>)
    %dma_wait3A_465 = arith.constant 1 : i32
    %dma_wait3A_466 = arith.constant 1 : i32
    %dma_wait3A_467 = arith.constant 0 : i32
    %dma_wait3A_468 = arith.constant 0 : i32
    %dma_wait3A_469 = tpu.memref_slice %arg6[%dma_wait3A_465, %dma_wait3A_467, %dma_wait3A_468] : memref<3x8x4096xf32, #tpu.memory_space<vmem>> -> memref<1x8x4096xf32, #tpu.memory_space<vmem>>
    %dma_wait3A_470 = tpu.memref_squeeze %dma_wait3A_469 : memref<1x8x4096xf32, #tpu.memory_space<vmem>> -> memref<8x4096xf32, #tpu.memory_space<vmem>>
    %dma_wait3A_471 = arith.constant 0 : i32
    %dma_wait3A_472 = tpu.memref_slice %arg4[%add3A_416, %dma_wait3A_471] : memref<2048x4096xf32, #tpu.memory_space<hbm>> -> memref<8x4096xf32, #tpu.memory_space<hbm>>
    %dma_wait3A_473 = tpu.memref_slice %arg8[%dma_wait3A_466] : memref<3x!tpu.dma_semaphore, #tpu.memory_space<semaphore_mem>> -> memref<1x!tpu.dma_semaphore, #tpu.memory_space<semaphore_mem>>
    %dma_wait3A_474 = tpu.memref_squeeze %dma_wait3A_473 : memref<1x!tpu.dma_semaphore, #tpu.memory_space<semaphore_mem>> -> memref<!tpu.dma_semaphore, #tpu.memory_space<semaphore_mem>>
    %dma_wait3A_475 = arith.constant 0 : i32
    %dma_wait3A_476 = tpu.memref_slice %arg4[%add3A_416, %dma_wait3A_475] : memref<2048x4096xf32, #tpu.memory_space<hbm>> -> memref<8x4096xf32, #tpu.memory_space<hbm>>
    %dma_wait3A_477 = arith.constant 0 : i32
    %dma_wait3A_478 = arith.constant 0 : i32
    %dma_wait3A_479 = tpu.memref_slice %arg6[%dma_wait3A_465, %dma_wait3A_477, %dma_wait3A_478] : memref<3x8x4096xf32, #tpu.memory_space<vmem>> -> memref<1x8x4096xf32, #tpu.memory_space<vmem>>
    %dma_wait3A_480 = tpu.memref_squeeze %dma_wait3A_479 : memref<1x8x4096xf32, #tpu.memory_space<vmem>> -> memref<8x4096xf32, #tpu.memory_space<vmem>>
    tpu.wait_dma2 semaphore(%dma_wait3A_474 : memref<!tpu.dma_semaphore, #tpu.memory_space<semaphore_mem>>) src(%dma_wait3A_480 : memref<8x4096xf32, #tpu.memory_space<vmem>>) dst(%dma_wait3A_476 : memref<8x4096xf32, #tpu.memory_space<hbm>>)
    return
  }
}

</mosaic_0001>

<sc_bundles>
// kernel: _soft_prompt_lookup.3.cloned.1.call-start
scs
__scs_entry_jumppad:
0x0: {  	(pc) =	sbr.rel $0x88, $3  }
0x1: {  	(tag) =	ssettag $0x0;
	lr =	simm.s32 $0x1  }
0x2: {  	[smem:$0x3F9F] =	sst lr;
	_ =	strace $0xD0000000  }
0x3: {  	_ = 	snop  }
0x4: {  	_ = 	snop  }
0x5: {  	_ = 	snop  }
0x6: {  	_ = 	snop  }
0x7: {  	_ = 	snop  }
__scs_overlays_trampoline_lowered:
0x8: {  	[smem:$0x3FAE] =	sst s0  }
0x9: {  	[smem:$0x3FAF] =	sst s1  }
0xa: {  	[smem:$0x3FB0] =	sst s2  }
0xb: {  	[smem:$0x3FB1] =	sst s3  }
0xc: {  	[smem:$0x3FB2] =	sst s4  }
0xd: {  	[smem:$0x3FB3] =	sst s5  }
0xe: {  	[smem:$0x3FB4] =	sst s6  }
0xf: {  	[smem:$0x3FB5] =	sst s7  }
0x10: {  	[smem:$0x3FB6] =	sst s8  }
0x11: {  	[smem:$0x3FB7] =	sst s9;
	s0 =	simm.s32 @!p0 $0x0  }
0x12: {  	s1 =	sld [smem:$0x3F9D];
	s0 =	simm.s32 @p0 $0x1  }
0x13: {  	[smem:$0x3FB8] =	sst s0;
	s0 =	simm.s32 @!p1 $0x0  }
0x14: {  	s2 =	sld [smem:$0x3F9C];
	s0 =	simm.s32 @p1 $0x1  }
0x15: {  	[smem:$0x3FB9] =	sst s0;
	s0 =	simm.s32 @!p2 $0x0  }
0x16: {  	s3 =	sld [smem:$0x3FDB];
	s0 =	simm.s32 @p2 $0x1  }
0x17: {  	s4 =	simm.s32 $0x1BF5;
	[smem:$0x3FBB] =	sst s0  }
0x18: {  	s0 =	sld [smem:$0x3F9E];
	_ =	swait.ge [sflag:s4], $0x0  }
0x19: {  	s7 =	sld [smem:$0x3F9F]  }
0x1a: {  	s8 =	sadd.s32 $0xFFFFE003, lr  }
0x1b: {  	s9 =	sadd.s32 $0xFFFFFEF7, lr;
	s5 =	simm.s32 $0xFFFFFFFF;
	p2 =	slt.u32 s8, $0xFFFFF086  }
0x1c: {  	p1 =	slt.u32 s9, $0xF7A;
	s5 =	simm.s32 @!p2 $0x0  }
0x1d: {  	s5 =	simm.s32 @p1 $0x1;
	p0 =	seq.s32 s7, s2  }
0x1e: {  	s7 =	smul.u32 @!p0 $0xF7A, s2;
	p2 =	seq.s32 @!p0 s5, $0x0  }
0x1f: {  	s9 =	smul.u32 $0xF7A, s1;
	s8 =	simm.s32 @!p0 $0x1BF5;
	p2 =	por !p2, p0  }
0x20: {  	[sflag:s8] =	ssyncset.s32 @!p0 $0xFFFFF086;
	s6 =	sadd.s32 @!p0 s3, s7;
	s7 =	simm.s32 @!p0 $0x108  }
0x21: {  	s3 =	sadd.s32 s3, s9;
	s6 =	sadd.s32 @!p0 $0x88, s6;
	s7 =	simm.s32 @p2 $0x1082  }
0x22: {  	[simem:s7], [sflag:s8] =	dma.local @!p0 [hbm:s6], $0xF7A  }
0x23: {  	s9 =	sor.u32 $0xD0000000, s2;
	s6 =	simm.s32 $0x108;
	_ =	swait.ge @!p0 [sflag:s8], $0x0  }
0x24: {  	s3 =	sadd.s32 $0x88, s3;
	s6 =	simm.s32 @!p1 $0x1082;
	[sflag:s4] =	ssyncset.s32 $0xFFFFF086  }
0x25: {  	[simem:s6], [sflag:s4] =	dma.local [hbm:s3], $0xF7A  }
0x26: {  	[smem:$0x3F9F] =	sst s1;
	(tag) =	ssettag s2;
	_ =	strace s9  }
0x27: {  	s1 =	sld [smem:$0x3FAF]  }
0x28: {  	s2 =	sld [smem:$0x3FB0]  }
0x29: {  	s4 =	sld [smem:$0x3FB2]  }
0x2a: {  	p0 =	seq.s32 s5, $0x0;
	s5 =	sld [smem:$0x3FB3]  }
0x2b: {  	s6 =	sld [smem:$0x3FB4]  }
0x2c: {  	s7 =	sld [smem:$0x3FB5]  }
0x2d: {  	s3 =	simm.s32 $0x108;
	s8 =	sld [smem:$0x3FB6]  }
0x2e: {  	s3 =	simm.s32 @!p0 $0x1082;
	s9 =	sld [smem:$0x3FB7]  }
0x2f: {  	lr =	sadd.s32 s0, s3;
	s0 =	sld [smem:$0x3FAE]  }
0x30: {  	s3 =	sld [smem:$0x3FB1]  }
0x31: {  	[smem:$0x3FBA] =	sst s10  }
0x32: {  	s10 =	sld [smem:$0x3FB8];
	_ =	sdelay $0x3  }
0x33: {  	p0 =	seq.s32 s10, $0x1;
	s10 =	sld [smem:$0x3FBA];
	_ =	sdelay $0x3  }
0x34: {  	[smem:$0x3FBA] =	sst s10  }
0x35: {  	s10 =	sld [smem:$0x3FB9];
	_ =	sdelay $0x3  }
0x36: {  	p1 =	seq.s32 s10, $0x1;
	s10 =	sld [smem:$0x3FBA];
	_ =	sdelay $0x3  }
0x37: {  	[smem:$0x3FBA] =	sst s10  }
0x38: {  	s10 =	sld [smem:$0x3FBB]  }
0x39: {  	_ = 	snop;
	(pc) =	sbr.ind lr, $3  }
0x3a: {  	_ = 	snop  }
0x3b: {  	_ = 	snop  }
0x3c: {  	p2 =	seq.s32 s10, $0x1;
	s10 =	sld [smem:$0x3FBA]  }
0x3d: {  	_ =	shalt  }
0x3e: {  	_ =	shalt  }
0x3f: {  	_ =	shalt  }
0x40: {  	_ =	shalt  }
0x41: {  	_ =	shalt  }
0x42: {  	_ =	shalt  }
0x43: {  	_ =	shalt  }
0x44: {  	_ =	shalt  }
0x45: {  	_ =	shalt  }
0x46: {  	_ =	shalt  }
0x47: {  	_ =	shalt  }
0x48: {  	_ =	shalt  }
0x49: {  	_ =	shalt  }
0x4a: {  	_ =	shalt  }
0x4b: {  	_ =	shalt  }
0x4c: {  	_ =	shalt  }
0x4d: {  	_ =	shalt  }
0x4e: {  	_ =	shalt  }
0x4f: {  	_ =	shalt  }
0x50: {  	_ =	shalt  }
0x51: {  	_ =	shalt  }
0x52: {  	_ =	shalt  }
0x53: {  	_ =	shalt  }
0x54: {  	_ =	shalt  }
0x55: {  	_ =	shalt  }
0x56: {  	_ =	shalt  }
0x57: {  	_ =	shalt  }
0x58: {  	_ =	shalt  }
0x59: {  	_ =	shalt  }
0x5a: {  	_ =	shalt  }
0x5b: {  	_ =	shalt  }
0x5c: {  	_ =	shalt  }
0x5d: {  	_ =	shalt  }
0x5e: {  	_ =	shalt  }
0x5f: {  	_ =	shalt  }
0x60: {  	_ =	shalt  }
0x61: {  	_ =	shalt  }
0x62: {  	_ =	shalt  }
0x63: {  	_ =	shalt  }
0x64: {  	_ =	shalt  }
0x65: {  	_ =	shalt  }
0x66: {  	_ =	shalt  }
0x67: {  	_ =	shalt  }
0x68: {  	_ =	shalt  }
0x69: {  	_ =	shalt  }
0x6a: {  	_ =	shalt  }
0x6b: {  	_ =	shalt  }
0x6c: {  	_ =	shalt  }
0x6d: {  	_ =	shalt  }
0x6e: {  	_ =	shalt  }
0x6f: {  	_ =	shalt  }
0x70: {  	_ =	shalt  }
0x71: {  	_ =	shalt  }
0x72: {  	_ =	shalt  }
0x73: {  	_ =	shalt  }
0x74: {  	_ =	shalt  }
0x75: {  	_ =	shalt  }
0x76: {  	_ =	shalt  }
0x77: {  	_ =	shalt  }
0x78: {  	_ =	shalt  }
0x79: {  	_ =	shalt  }
0x7a: {  	_ =	shalt  }
0x7b: {  	_ =	shalt  }
0x7c: {  	_ =	shalt  }
0x7d: {  	_ =	shalt  }
0x7e: {  	_ =	shalt  }
0x7f: {  	_ =	shalt  }
0x80: {  	_ =	shalt  }
0x81: {  	_ =	shalt  }
0x82: {  	_ =	shalt  }
0x83: {  	_ =	shalt  }
0x84: {  	_ =	shalt  }
0x85: {  	_ =	shalt  }
0x86: {  	_ =	shalt  }
0x87: {  	_ =	shalt  }
.Lfunc_end0:
.L_simem_size_0:
called_computation_lowered:
.L_overlay_start_0:
0x88: {  	s2 =	sld [smem:$0x3FD9]  }
0x89: {  	s3 =	sld [smem:$0x3FFE];
	_ =	sdelay $0x1  }
0x8a: {  	s1 =	srdreg.scid  }
0x8b: {  	s0 =	sand.u32 $0x1, s1  }
0x8c: {  	s18 =	sshll.u32 s0, $0xA;
	s2 =	sadd.s32 s3, s2  }
0x8d: {  	s2 =	sadd.s32 s2, s18  }
0x8e: {  	[smem:$0x3FC6] =	sst s2  }
0x8f: {  	_ = 	snop  }
0x90: {  	s2 =	sld [smem:$0x3FC9]  }
0x91: {  	s19 =	sld [smem:$0x3FC8]  }
0x92: {  	s4 =	sld [smem:$0x3FD0];
	(tm) =	ssettm $0x1  }
0x93: {  	s5 =	sld [smem:$0x3FFB];
	_ =	sdelay $0x3  }
0x94: {  	_ =	strace s5  }
0x95: {  	s5 =	sld [smem:$0x3FFC];
	_ =	sdelay $0x3  }
0x96: {  	_ =	strace s5  }
0x97: {  	s5 =	sld [smem:$0x3FFD];
	_ =	sdelay $0x3  }
0x98: {  	_ =	strace s5  }
0x99: {  	_ =	strace $0x8FFFFFFF  }
0x9a: {  	s20 =	sld [smem:$0x3FDB];
	_ =	sdelay $0x1  }
0x9b: {  	s6 =	simm.s32 $_scs_section_size  }
0x9c: {  	s7 =	simm.s32 $_size__tile_overlayer_lowered;
	s8 =	simm.s32 $_tile_overlayer_lowered  }
0x9d: {  	s23 =	simm.s32 $0x1BFF;
	s22 =	sshll.u32 s8, $0x1;
	s5 =	sadd.s32 s6, s20  }
0x9e: {  	s9 =	simm.s32 $0x0;
	s21 =	sshll.u32 s7, $0x1;
	s7 =	sadd.s32 s22, s5  }
0x9f: {  	[timem:s9], [sflag:s23] =	dma.local [hbm:s7], s21  }
0xa0: {  	_ =	swait.ge [sflag:s23], s21  }
0xa1: {  	s6 =	ssub.s32 $0x0, s21;
	[sflag:s23] =	ssyncset.done $0x0  }
0xa2: {  	[sflag:s23] =	ssyncadd.s32 s6;
	_ =	sdelay $0x1  }
0xa3: {  	s24 =	simm.s32 $0x1B8B  }
0xa4: {  	_ =	swait.ge [sflag:s24], $0x1  }
0xa5: {  	[sflag:s24] =	ssyncset.done $0x0  }
0xa6: {  	s25 =	simm.s32 $0x1B8E;
	[sflag:s24] =	ssyncadd.s32 $0xFFFFFFFF  }
0xa7: {  	s26 =	simm.s32 $execute0_lowered;
	[smem:$0x3FD2] =	sst s25  }
0xa8: {  	s6 =	sshll.u32 s26, $0x1;
	_ =	strace $0x80000046;
	[dreg:$0x1] =	wrdreg $0xFFFFFFFF  }
0xa9: {  	s28 =	simm.s32 $_size_execute0_lowered;
	s5 =	sadd.s32 s5, s6;
	[dreg:$0x0] =	wrdreg $0x0  }
0xaa: {  	s6 =	sshll.u32 s28, $0x1;
	[dreg:$0x2] =	wrdreg s5  }
0xab: {  	[dreg:$0x3] =	wrdreg s6  }
0xac: {  	[dreg:$0x4] =	wrdreg $0xC0  }
0xad: {  	_ =	task [dreg:s9], $0x5FFFF  }
0xae: {  	[dreg:$0x1] =	wrdreg $0xFFFFFFFF  }
0xaf: {  	[dreg:$0x0] =	wrdreg $0x60  }
0xb0: {  	[dreg:$0x2] =	wrdreg s2  }
0xb1: {  	[dreg:$0x3] =	wrdreg s19  }
0xb2: {  	[dreg:$0x4] =	wrdreg s4  }
0xb3: {  	[dreg:$0x5] =	wrdreg $0x9  }
0xb4: {  	_ =	task.clear_ibuf [dreg:s9], $0x6FFFF;
	_ =	strace $0x90000046  }
0xb5: {  	s29 =	simm.s32 $0x9;
	_ =	strace $0x80000048  }
0xb6: {  	_ =	swait.ge [sflag:s29], $0x1  }
0xb7: {  	[sflag:s29] =	ssyncadd.s32 $0xFFFFFFFF  }
0xb8: {  	_ =	strace $0x90000048  }
0xb9: {  	_ =	sfence  }
0xba: {  	s30 =	sld [smem:$0x0];
	_ =	sdelay $0x2  }
0xbb: {  	s31 =	sshll.u32 s1, $0xD;
	s1 =	sshrl.u32 s1, $0x2  }
0xbc: {  	s3 =	sand.u32 $0x4000, s31;
	s1 =	sadd.s32 s1, s30  }
0xbd: {  	s0 =	sor.u32 s3, s0;
	s1 =	sshll.u32 s1, $0x11  }
0xbe: {  	s0 =	sor.u32 s1, s0  }
0xbf: {  	s0 =	sadd.s32 $0x8F2B, s0  }
0xc0: {  	[sflag:s0] =	ssyncadd.remote.s32 $0x1  }
0xc1: {  	_ =	sfence.sel $0xFFFF  }
0xc2: {  	[dreg:$0x0] =	wrdreg $0xFFFFFFFF;
	(pc) =	sbr.abs _section_cstart, $3  }
0xc3: {  	[dreg:$0x1] =	wrdreg $0xFFFFFFFF  }
0xc4: {  	_ =	task.clear_ibuf [dreg:s9], $0x2FFFF;
	_ =	strace $0x9FFFFFFF  }
0xc5: {  	(tm) =	ssettm $0x7FFFFFFF  }
tec
execute0_lowered:
.L_overlay_start_1:
0x0: {  	(tag) =	ssettag $0x1  }
0x1: {  	s1 =	rddreg [dreg:$0x0]  }
0x2: {  	s0 =	srdreg.scid;
	s2 =	rddreg [dreg:$0x1]  }
0x3: {  	s3 =	stileid.u32;
	s11 =	rddreg [dreg:$0x2];
	s29 =	simm.s32 $0x11080  }
0x4: {  	s30 =	simm.s32 $0x11880;
	s31 =	simm.s32 $0x12080;
	s0 =	sand.u32 $0x1, s0  }
0x5: {  	s4 =	sshll.u32 s3, $0x7;
	s3 =	simm.s32 $0x0;
	s6 =	sadd.s32 $0x300, s1  }
0x6: {  	s7 =	sadd.s32 $0x400, s1;
	s8 =	sadd.s32 $0x500, s1;
	s10 =	sadd.s32 $0x700, s1  }
0x7: {  	s12 =	sadd.s32 $0x800, s1;
	s13 =	sadd.s32 $0x900, s1;
	s14 =	sadd.s32 $0xA00, s1  }
0x8: {  	s15 =	sadd.s32 $0xB00, s1;
	s16 =	sadd.s32 $0xC00, s1;
	s5 =	sshll.u32 s0, $0x6  }
0x9: {  	s17 =	sadd.s32 $0xD00, s1;
	s18 =	sadd.s32 $0xE00, s1;
	s9 =	sor.u32 s5, s4  }
0xa: {  	s19 =	sadd.s32 $0xF00, s1;
	[smem:$0x7FF] =	sst s3;
	s4 =	sshrl.u32 s9, $0x3  }
0xb: {  	s0 =	ssub.s32 $0x2, s0;
	s21 =	sshll.u32 s9, $0x9;
	s2 =	sadd.s32 s2, s4  }
0xc: {  	_ =	strace $0x80000047;
	s11 =	sadd.s32 s11, s21;
	[dreg:$0x4] =	wrdreg s2  }
0xd: {  	s20 =	sshrl.u32 s0, $0x1;
	s2 =	sadd.s32 $0x1000, s11;
	[dreg:$0xc] =	wrdreg s11  }
0xe: {  	s5 =	sadd.s32 $0x200, s1;
	s22 =	sadd.s32 $0x2000, s11;
	[dreg:$0x5] =	wrdreg s2  }
0xf: {  	s0 =	ssub.s32 s0, s20;
	s23 =	sadd.s32 $0x3000, s11;
	[dreg:$0x6] =	wrdreg s22  }
0x10: {  	s9 =	sadd.s32 $0x600, s1;
	s24 =	sadd.s32 $0x4000, s11;
	[dreg:$0x7] =	wrdreg s23  }
0x11: {  	s4 =	sadd.s32 $0x100, s1;
	s25 =	sadd.s32 $0x5000, s11;
	[dreg:$0x8] =	wrdreg s24  }
0x12: {  	s20 =	smax.u32 s0, $0x1;
	s26 =	sadd.s32 $0x6000, s11;
	[dreg:$0x9] =	wrdreg s25  }
0x13: {  	v0 =	vlaneseq.u32;
	s21 =	simm.s32 $0x2;
	s28 =	sadd.s32 $0x7000, s11;
	[dreg:$0xa] =	wrdreg s26  }
0x14: {  	v1 =	vshrl.u32 v0, $0x3;
	s11 =	simm.s32 $0x4;
	[dreg:$0xb] =	wrdreg s28;
	s25 =	simm.s32 $0x1  }
0x15: {  	vm0 =	vmmov $0xffff;
	v0 =	vand.u32 $0x7, v0;
	v1 =	vmul.u32 $0x8, v1;
	s23 =	simm.s32 $0x5;
	s26 =	simm.s32 $0x80;
	s24 =	simm.s32 $0x8080  }
.LBB2_1:
0x16: {  	s28 =	rddreg [dreg:$0x4];
	s1 =	simm.s32 $0x7  }
0x17: {  	[tilespmem:s3], [sflag:$0x7] =	stream.linear.gather [hbm4b:s28+s3], $0x40, $0x38;
	[tilespmem:$0x18080] =	vst v63  }
0x18: {  	_ =	swait.ge [sflag:s1], $0x40  }
0x19: {  	[sflag:s1] =	ssyncset.done $0x0  }
0x1a: {  	[sflag:s1] =	ssyncadd.s32 $0xFFFFFFC0  }
0x1b: {  	v2 =	vld.msk [tilespmem:$0x0], $0xff;
	_ =	sdelay $0x4  }
0x1c: {  	v3 =	vshll.u32 v2, $0x5  }
0x1d: {  	v2 =	vand.u32 $0x7, v2;
	v3 =	vand.u32 $0xFFFFFF00, v3  }
0x1e: {  	v2 =	vor.u32 v2, v3  }
0x1f: {  	v2 =	vperm.xlane v2, v0;
	_ =	sdelay $0x1  }
0x20: {  	v2 =	vadd.s32 v1, v2;
	_ =	sdelay $0x3  }
0x21: {  	s0 =	rddreg [dreg:$0x0]  }
0x22: {  	[tilespmem:s26], [sflag:$0x1] =	stream.indirect_vreg.gather [hbm4b:s0+s3], $0x80, v2, vm0, $0xb8;
	[tilespmem:$0x18080] =	vst v63  }
0x23: {  	s1 =	simm.s32 $0x880  }
0x24: {  	[tilespmem:s1], [sflag:$0x1] =	stream.indirect_vreg.gather [hbm4b:s4+s3], $0x80, v2, vm0, $0xb8;
	[tilespmem:$0x18080] =	vst v63  }
0x25: {  	s2 =	simm.s32 $0x1080  }
0x26: {  	[tilespmem:s2], [sflag:$0x1] =	stream.indirect_vreg.gather [hbm4b:s5+s3], $0x80, v2, vm0, $0xb8;
	[tilespmem:$0x18080] =	vst v63  }
0x27: {  	s28 =	simm.s32 $0x1880  }
0x28: {  	[tilespmem:s28], [sflag:$0x1] =	stream.indirect_vreg.gather [hbm4b:s6+s3], $0x80, v2, vm0, $0xb8;
	[tilespmem:$0x18080] =	vst v63  }
0x29: {  	s28 =	simm.s32 $0x2080  }
0x2a: {  	[tilespmem:s28], [sflag:$0x1] =	stream.indirect_vreg.gather [hbm4b:s7+s3], $0x80, v2, vm0, $0xb8;
	[tilespmem:$0x18080] =	vst v63  }
0x2b: {  	s28 =	simm.s32 $0x2880  }
0x2c: {  	[tilespmem:s28], [sflag:$0x1] =	stream.indirect_vreg.gather [hbm4b:s8+s3], $0x80, v2, vm0, $0xb8;
	[tilespmem:$0x18080] =	vst v63  }
0x2d: {  	s28 =	simm.s32 $0x3080  }
0x2e: {  	[tilespmem:s28], [sflag:$0x1] =	stream.indirect_vreg.gather [hbm4b:s9+s3], $0x80, v2, vm0, $0xb8;
	[tilespmem:$0x18080] =	vst v63  }
0x2f: {  	s28 =	simm.s32 $0x3880  }
0x30: {  	[tilespmem:s28], [sflag:$0x1] =	stream.indirect_vreg.gather [hbm4b:s10+s3], $0x80, v2, vm0, $0xb8;
	[tilespmem:$0x18080] =	vst v63  }
0x31: {  	s28 =	simm.s32 $0x4080  }
0x32: {  	[tilespmem:s28], [sflag:$0x1] =	stream.indirect_vreg.gather [hbm4b:s12+s3], $0x80, v2, vm0, $0xb8;
	[tilespmem:$0x18080] =	vst v63  }
0x33: {  	s28 =	simm.s32 $0x4880  }
0x34: {  	[tilespmem:s28], [sflag:$0x1] =	stream.indirect_vreg.gather [hbm4b:s13+s3], $0x80, v2, vm0, $0xb8;
	[tilespmem:$0x18080] =	vst v63  }
0x35: {  	s28 =	simm.s32 $0x5080  }
0x36: {  	[tilespmem:s28], [sflag:$0x1] =	stream.indirect_vreg.gather [hbm4b:s14+s3], $0x80, v2, vm0, $0xb8;
	[tilespmem:$0x18080] =	vst v63  }
0x37: {  	s28 =	simm.s32 $0x5880  }
0x38: {  	[tilespmem:s28], [sflag:$0x1] =	stream.indirect_vreg.gather [hbm4b:s15+s3], $0x80, v2, vm0, $0xb8;
	[tilespmem:$0x18080] =	vst v63  }
0x39: {  	s28 =	simm.s32 $0x6080  }
0x3a: {  	[tilespmem:s28], [sflag:$0x1] =	stream.indirect_vreg.gather [hbm4b:s16+s3], $0x80, v2, vm0, $0xb8;
	[tilespmem:$0x18080] =	vst v63  }
0x3b: {  	s28 =	simm.s32 $0x6880  }
0x3c: {  	[tilespmem:s28], [sflag:$0x1] =	stream.indirect_vreg.gather [hbm4b:s17+s3], $0x80, v2, vm0, $0xb8;
	[tilespmem:$0x18080] =	vst v63  }
0x3d: {  	s28 =	simm.s32 $0x7080  }
0x3e: {  	[tilespmem:s28], [sflag:$0x1] =	stream.indirect_vreg.gather [hbm4b:s18+s3], $0x80, v2, vm0, $0xb8;
	[tilespmem:$0x18080] =	vst v63  }
0x3f: {  	s28 =	simm.s32 $0x7880  }
0x40: {  	[tilespmem:s28], [sflag:$0x1] =	stream.indirect_vreg.gather [hbm4b:s19+s3], $0x80, v2, vm0, $0xb8;
	[tilespmem:$0x18080] =	vst v63  }
0x41: {  	v2 =	vld.msk [tilespmem:$0x8], $0xff;
	_ =	sdelay $0x4  }
0x42: {  	v3 =	vshll.u32 v2, $0x5  }
0x43: {  	v2 =	vand.u32 $0x7, v2;
	v3 =	vand.u32 $0xFFFFFF00, v3  }
0x44: {  	v2 =	vor.u32 v2, v3  }
0x45: {  	v2 =	vperm.xlane v2, v0;
	_ =	sdelay $0x1  }
0x46: {  	v2 =	vadd.s32 v1, v2;
	_ =	sdelay $0x4  }
0x47: {  	[tilespmem:s24], [sflag:$0x2] =	stream.indirect_vreg.gather [hbm4b:s0+s3], $0x80, v2, vm0, $0xb8;
	[tilespmem:$0x18080] =	vst v63  }
0x48: {  	s28 =	simm.s32 $0x8880  }
0x49: {  	[tilespmem:s28], [sflag:$0x2] =	stream.indirect_vreg.gather [hbm4b:s4+s3], $0x80, v2, vm0, $0xb8;
	[tilespmem:$0x18080] =	vst v63  }
0x4a: {  	s28 =	simm.s32 $0x9080  }
0x4b: {  	[tilespmem:s28], [sflag:$0x2] =	stream.indirect_vreg.gather [hbm4b:s5+s3], $0x80, v2, vm0, $0xb8;
	[tilespmem:$0x18080] =	vst v63  }
0x4c: {  	s28 =	simm.s32 $0x9880  }
0x4d: {  	[tilespmem:s28], [sflag:$0x2] =	stream.indirect_vreg.gather [hbm4b:s6+s3], $0x80, v2, vm0, $0xb8;
	[tilespmem:$0x18080] =	vst v63  }
0x4e: {  	s28 =	simm.s32 $0xA080  }
0x4f: {  	[tilespmem:s28], [sflag:$0x2] =	stream.indirect_vreg.gather [hbm4b:s7+s3], $0x80, v2, vm0, $0xb8;
	[tilespmem:$0x18080] =	vst v63  }
0x50: {  	s28 =	simm.s32 $0xA880  }
0x51: {  	[tilespmem:s28], [sflag:$0x2] =	stream.indirect_vreg.gather [hbm4b:s8+s3], $0x80, v2, vm0, $0xb8;
	[tilespmem:$0x18080] =	vst v63  }
0x52: {  	s28 =	simm.s32 $0xB080  }
0x53: {  	[tilespmem:s28], [sflag:$0x2] =	stream.indirect_vreg.gather [hbm4b:s9+s3], $0x80, v2, vm0, $0xb8;
	[tilespmem:$0x18080] =	vst v63  }
0x54: {  	s28 =	simm.s32 $0xB880  }
0x55: {  	[tilespmem:s28], [sflag:$0x2] =	stream.indirect_vreg.gather [hbm4b:s10+s3], $0x80, v2, vm0, $0xb8;
	[tilespmem:$0x18080] =	vst v63  }
0x56: {  	s28 =	simm.s32 $0xC080  }
0x57: {  	[tilespmem:s28], [sflag:$0x2] =	stream.indirect_vreg.gather [hbm4b:s12+s3], $0x80, v2, vm0, $0xb8;
	[tilespmem:$0x18080] =	vst v63  }
0x58: {  	s28 =	simm.s32 $0xC880  }
0x59: {  	[tilespmem:s28], [sflag:$0x2] =	stream.indirect_vreg.gather [hbm4b:s13+s3], $0x80, v2, vm0, $0xb8;
	[tilespmem:$0x18080] =	vst v63  }
0x5a: {  	s28 =	simm.s32 $0xD080  }
0x5b: {  	[tilespmem:s28], [sflag:$0x2] =	stream.indirect_vreg.gather [hbm4b:s14+s3], $0x80, v2, vm0, $0xb8;
	[tilespmem:$0x18080] =	vst v63  }
0x5c: {  	s28 =	simm.s32 $0xD880  }
0x5d: {  	[tilespmem:s28], [sflag:$0x2] =	stream.indirect_vreg.gather [hbm4b:s15+s3], $0x80, v2, vm0, $0xb8;
	[tilespmem:$0x18080] =	vst v63  }
0x5e: {  	s28 =	simm.s32 $0xE080  }
0x5f: {  	[tilespmem:s28], [sflag:$0x2] =	stream.indirect_vreg.gather [hbm4b:s16+s3], $0x80, v2, vm0, $0xb8;
	[tilespmem:$0x18080] =	vst v63  }
0x60: {  	s28 =	simm.s32 $0xE880  }
0x61: {  	[tilespmem:s28], [sflag:$0x2] =	stream.indirect_vreg.gather [hbm4b:s17+s3], $0x80, v2, vm0, $0xb8;
	[tilespmem:$0x18080] =	vst v63  }
0x62: {  	s28 =	simm.s32 $0xF080  }
0x63: {  	[tilespmem:s28], [sflag:$0x2] =	stream.indirect_vreg.gather [hbm4b:s18+s3], $0x80, v2, vm0, $0xb8;
	[tilespmem:$0x18080] =	vst v63  }
0x64: {  	s28 =	simm.s32 $0xF880  }
0x65: {  	[tilespmem:s28], [sflag:$0x2] =	stream.indirect_vreg.gather [hbm4b:s19+s3], $0x80, v2, vm0, $0xb8;
	[tilespmem:$0x18080] =	vst v63  }
0x66: {  	v2 =	vld.msk [tilespmem:$0x10], $0xff;
	_ =	sdelay $0x4  }
0x67: {  	v3 =	vshll.u32 v2, $0x5  }
0x68: {  	v2 =	vand.u32 $0x7, v2;
	v3 =	vand.u32 $0xFFFFFF00, v3  }
0x69: {  	v2 =	vor.u32 v2, v3  }
0x6a: {  	v2 =	vperm.xlane v2, v0;
	_ =	sdelay $0x1  }
0x6b: {  	v2 =	vadd.s32 v1, v2;
	_ =	sdelay $0x3  }
0x6c: {  	s28 =	simm.s32 $0x10080  }
0x6d: {  	[tilespmem:s28], [sflag:$0x3] =	stream.indirect_vreg.gather [hbm4b:s0+s3], $0x80, v2, vm0, $0xb8;
	[tilespmem:$0x18080] =	vst v63  }
0x6e: {  	s28 =	simm.s32 $0x10880  }
0x6f: {  	[tilespmem:s28], [sflag:$0x3] =	stream.indirect_vreg.gather [hbm4b:s4+s3], $0x80, v2, vm0, $0xb8;
	[tilespmem:$0x18080] =	vst v63  }
0x70: {  	_ = 	snop  }
0x71: {  	[tilespmem:s29], [sflag:$0x3] =	stream.indirect_vreg.gather [hbm4b:s5+s3], $0x80, v2, vm0, $0xb8;
	[tilespmem:$0x18080] =	vst v63  }
0x72: {  	_ = 	snop  }
0x73: {  	[tilespmem:s30], [sflag:$0x3] =	stream.indirect_vreg.gather [hbm4b:s6+s3], $0x80, v2, vm0, $0xb8;
	[tilespmem:$0x18080] =	vst v63  }
0x74: {  	_ = 	snop  }
0x75: {  	[tilespmem:s31], [sflag:$0x3] =	stream.indirect_vreg.gather [hbm4b:s7+s3], $0x80, v2, vm0, $0xb8;
	[tilespmem:$0x18080] =	vst v63  }
0x76: {  	s28 =	simm.s32 $0x12880  }
0x77: {  	[tilespmem:s28], [sflag:$0x3] =	stream.indirect_vreg.gather [hbm4b:s8+s3], $0x80, v2, vm0, $0xb8;
	[tilespmem:$0x18080] =	vst v63  }
0x78: {  	s28 =	simm.s32 $0x13080  }
0x79: {  	[tilespmem:s28], [sflag:$0x3] =	stream.indirect_vreg.gather [hbm4b:s9+s3], $0x80, v2, vm0, $0xb8;
	[tilespmem:$0x18080] =	vst v63  }
0x7a: {  	s28 =	simm.s32 $0x13880  }
0x7b: {  	[tilespmem:s28], [sflag:$0x3] =	stream.indirect_vreg.gather [hbm4b:s10+s3], $0x80, v2, vm0, $0xb8;
	[tilespmem:$0x18080] =	vst v63  }
0x7c: {  	s28 =	simm.s32 $0x14080  }
0x7d: {  	[tilespmem:s28], [sflag:$0x3] =	stream.indirect_vreg.gather [hbm4b:s12+s3], $0x80, v2, vm0, $0xb8;
	[tilespmem:$0x18080] =	vst v63  }
0x7e: {  	s28 =	simm.s32 $0x14880  }
0x7f: {  	[tilespmem:s28], [sflag:$0x3] =	stream.indirect_vreg.gather [hbm4b:s13+s3], $0x80, v2, vm0, $0xb8;
	[tilespmem:$0x18080] =	vst v63  }
0x80: {  	s28 =	simm.s32 $0x15080  }
0x81: {  	[tilespmem:s28], [sflag:$0x3] =	stream.indirect_vreg.gather [hbm4b:s14+s3], $0x80, v2, vm0, $0xb8;
	[tilespmem:$0x18080] =	vst v63  }
0x82: {  	s28 =	simm.s32 $0x15880  }
0x83: {  	[tilespmem:s28], [sflag:$0x3] =	stream.indirect_vreg.gather [hbm4b:s15+s3], $0x80, v2, vm0, $0xb8;
	[tilespmem:$0x18080] =	vst v63  }
0x84: {  	s28 =	simm.s32 $0x16080  }
0x85: {  	[tilespmem:s28], [sflag:$0x3] =	stream.indirect_vreg.gather [hbm4b:s16+s3], $0x80, v2, vm0, $0xb8;
	[tilespmem:$0x18080] =	vst v63  }
0x86: {  	s28 =	simm.s32 $0x16880  }
0x87: {  	[tilespmem:s28], [sflag:$0x3] =	stream.indirect_vreg.gather [hbm4b:s17+s3], $0x80, v2, vm0, $0xb8;
	[tilespmem:$0x18080] =	vst v63  }
0x88: {  	s28 =	simm.s32 $0x17080  }
0x89: {  	[tilespmem:s28], [sflag:$0x3] =	stream.indirect_vreg.gather [hbm4b:s18+s3], $0x80, v2, vm0, $0xb8;
	[tilespmem:$0x18080] =	vst v63  }
0x8a: {  	s28 =	simm.s32 $0x17880  }
0x8b: {  	[tilespmem:s28], [sflag:$0x3] =	stream.indirect_vreg.gather [hbm4b:s19+s3], $0x80, v2, vm0, $0xb8;
	[tilespmem:$0x18080] =	vst v63  }
0x8c: {  	_ =	swait.ge [sflag:s25], $0x8000  }
0x8d: {  	[sflag:s25] =	ssyncset.done $0x0  }
0x8e: {  	s1 =	rddreg [dreg:$0xc];
	[sflag:s25] =	ssyncadd.s32 $0xFFFF8000  }
0x8f: {  	[hbm4b:s1+s3] =	stream.linear.scatter [tilespmem:s26], [sflag:$0x4], $0x8000, $0x38;
	[tilespmem:$0x18080] =	vst v63  }
0x90: {  	_ =	swait.ge [sflag:s11], $0x8000  }
0x91: {  	[sflag:s11] =	ssyncset.done $0x0  }
0x92: {  	[sflag:s11] =	ssyncadd.s32 $0xFFFF8000  }
0x93: {  	v2 =	vld.msk [tilespmem:$0x18], $0xff;
	_ =	sdelay $0x4  }
0x94: {  	v3 =	vshll.u32 v2, $0x5  }
0x95: {  	v2 =	vand.u32 $0x7, v2;
	v3 =	vand.u32 $0xFFFFFF00, v3  }
0x96: {  	v2 =	vor.u32 v2, v3  }
0x97: {  	v2 =	vperm.xlane v2, v0;
	_ =	sdelay $0x1  }
0x98: {  	v2 =	vadd.s32 v1, v2;
	_ =	sdelay $0x4  }
0x99: {  	[tilespmem:s26], [sflag:$0x1] =	stream.indirect_vreg.gather [hbm4b:s0+s3], $0x80, v2, vm0, $0xb8;
	[tilespmem:$0x18080] =	vst v63  }
0x9a: {  	s22 =	simm.s32 $0x880  }
0x9b: {  	[tilespmem:s22], [sflag:$0x1] =	stream.indirect_vreg.gather [hbm4b:s4+s3], $0x80, v2, vm0, $0xb8;
	[tilespmem:$0x18080] =	vst v63  }
0x9c: {  	s2 =	simm.s32 $0x1080  }
0x9d: {  	[tilespmem:s2], [sflag:$0x1] =	stream.indirect_vreg.gather [hbm4b:s5+s3], $0x80, v2, vm0, $0xb8;
	[tilespmem:$0x18080] =	vst v63  }
0x9e: {  	s28 =	simm.s32 $0x1880  }
0x9f: {  	[tilespmem:s28], [sflag:$0x1] =	stream.indirect_vreg.gather [hbm4b:s6+s3], $0x80, v2, vm0, $0xb8;
	[tilespmem:$0x18080] =	vst v63  }
0xa0: {  	s2 =	simm.s32 $0x2080  }
0xa1: {  	[tilespmem:s2], [sflag:$0x1] =	stream.indirect_vreg.gather [hbm4b:s7+s3], $0x80, v2, vm0, $0xb8;
	[tilespmem:$0x18080] =	vst v63  }
0xa2: {  	s22 =	simm.s32 $0x2880  }
0xa3: {  	[tilespmem:s22], [sflag:$0x1] =	stream.indirect_vreg.gather [hbm4b:s8+s3], $0x80, v2, vm0, $0xb8;
	[tilespmem:$0x18080] =	vst v63  }
0xa4: {  	s28 =	simm.s32 $0x3080  }
0xa5: {  	[tilespmem:s28], [sflag:$0x1] =	stream.indirect_vreg.gather [hbm4b:s9+s3], $0x80, v2, vm0, $0xb8;
	[tilespmem:$0x18080] =	vst v63  }
0xa6: {  	s2 =	simm.s32 $0x3880  }
0xa7: {  	[tilespmem:s2], [sflag:$0x1] =	stream.indirect_vreg.gather [hbm4b:s10+s3], $0x80, v2, vm0, $0xb8;
	[tilespmem:$0x18080] =	vst v63  }
0xa8: {  	s22 =	simm.s32 $0x4080  }
0xa9: {  	[tilespmem:s22], [sflag:$0x1] =	stream.indirect_vreg.gather [hbm4b:s12+s3], $0x80, v2, vm0, $0xb8;
	[tilespmem:$0x18080] =	vst v63  }
0xaa: {  	s28 =	simm.s32 $0x4880  }
0xab: {  	[tilespmem:s28], [sflag:$0x1] =	stream.indirect_vreg.gather [hbm4b:s13+s3], $0x80, v2, vm0, $0xb8;
	[tilespmem:$0x18080] =	vst v63  }
0xac: {  	s2 =	simm.s32 $0x5080  }
0xad: {  	[tilespmem:s2], [sflag:$0x1] =	stream.indirect_vreg.gather [hbm4b:s14+s3], $0x80, v2, vm0, $0xb8;
	[tilespmem:$0x18080] =	vst v63  }
0xae: {  	s22 =	simm.s32 $0x5880  }
0xaf: {  	[tilespmem:s22], [sflag:$0x1] =	stream.indirect_vreg.gather [hbm4b:s15+s3], $0x80, v2, vm0, $0xb8;
	[tilespmem:$0x18080] =	vst v63  }
0xb0: {  	s28 =	simm.s32 $0x6080  }
0xb1: {  	[tilespmem:s28], [sflag:$0x1] =	stream.indirect_vreg.gather [hbm4b:s16+s3], $0x80, v2, vm0, $0xb8;
	[tilespmem:$0x18080] =	vst v63  }
0xb2: {  	s2 =	simm.s32 $0x6880  }
0xb3: {  	[tilespmem:s2], [sflag:$0x1] =	stream.indirect_vreg.gather [hbm4b:s17+s3], $0x80, v2, vm0, $0xb8;
	[tilespmem:$0x18080] =	vst v63  }
0xb4: {  	s22 =	simm.s32 $0x7080  }
0xb5: {  	[tilespmem:s22], [sflag:$0x1] =	stream.indirect_vreg.gather [hbm4b:s18+s3], $0x80, v2, vm0, $0xb8;
	[tilespmem:$0x18080] =	vst v63  }
0xb6: {  	s28 =	simm.s32 $0x7880  }
0xb7: {  	[tilespmem:s28], [sflag:$0x1] =	stream.indirect_vreg.gather [hbm4b:s19+s3], $0x80, v2, vm0, $0xb8;
	[tilespmem:$0x18080] =	vst v63  }
0xb8: {  	_ =	swait.ge [sflag:s21], $0x8000  }
0xb9: {  	[sflag:s21] =	ssyncset.done $0x0  }
0xba: {  	s1 =	rddreg [dreg:$0x5];
	[sflag:s21] =	ssyncadd.s32 $0xFFFF8000  }
0xbb: {  	[hbm4b:s1+s3] =	stream.linear.scatter [tilespmem:s24], [sflag:$0x5], $0x8000, $0x38;
	[tilespmem:$0x18080] =	vst v63  }
0xbc: {  	_ =	swait.ge [sflag:s23], $0x8000  }
0xbd: {  	[sflag:s23] =	ssyncset.done $0x0  }
0xbe: {  	[sflag:s23] =	ssyncadd.s32 $0xFFFF8000  }
0xbf: {  	v2 =	vld.msk [tilespmem:$0x20], $0xff;
	_ =	sdelay $0x4  }
0xc0: {  	v3 =	vshll.u32 v2, $0x5  }
0xc1: {  	v2 =	vand.u32 $0x7, v2;
	v3 =	vand.u32 $0xFFFFFF00, v3  }
0xc2: {  	v2 =	vor.u32 v2, v3  }
0xc3: {  	v2 =	vperm.xlane v2, v0;
	_ =	sdelay $0x1  }
0xc4: {  	v2 =	vadd.s32 v1, v2;
	_ =	sdelay $0x4  }
0xc5: {  	[tilespmem:s24], [sflag:$0x2] =	stream.indirect_vreg.gather [hbm4b:s0+s3], $0x80, v2, vm0, $0xb8;
	[tilespmem:$0x18080] =	vst v63  }
0xc6: {  	s2 =	simm.s32 $0x8880  }
0xc7: {  	[tilespmem:s2], [sflag:$0x2] =	stream.indirect_vreg.gather [hbm4b:s4+s3], $0x80, v2, vm0, $0xb8;
	[tilespmem:$0x18080] =	vst v63  }
0xc8: {  	s22 =	simm.s32 $0x9080  }
0xc9: {  	[tilespmem:s22], [sflag:$0x2] =	stream.indirect_vreg.gather [hbm4b:s5+s3], $0x80, v2, vm0, $0xb8;
	[tilespmem:$0x18080] =	vst v63  }
0xca: {  	s28 =	simm.s32 $0x9880  }
0xcb: {  	[tilespmem:s28], [sflag:$0x2] =	stream.indirect_vreg.gather [hbm4b:s6+s3], $0x80, v2, vm0, $0xb8;
	[tilespmem:$0x18080] =	vst v63  }
0xcc: {  	s2 =	simm.s32 $0xA080  }
0xcd: {  	[tilespmem:s2], [sflag:$0x2] =	stream.indirect_vreg.gather [hbm4b:s7+s3], $0x80, v2, vm0, $0xb8;
	[tilespmem:$0x18080] =	vst v63  }
0xce: {  	s22 =	simm.s32 $0xA880  }
0xcf: {  	[tilespmem:s22], [sflag:$0x2] =	stream.indirect_vreg.gather [hbm4b:s8+s3], $0x80, v2, vm0, $0xb8;
	[tilespmem:$0x18080] =	vst v63  }
0xd0: {  	s28 =	simm.s32 $0xB080  }
0xd1: {  	[tilespmem:s28], [sflag:$0x2] =	stream.indirect_vreg.gather [hbm4b:s9+s3], $0x80, v2, vm0, $0xb8;
	[tilespmem:$0x18080] =	vst v63  }
0xd2: {  	s2 =	simm.s32 $0xB880  }
0xd3: {  	[tilespmem:s2], [sflag:$0x2] =	stream.indirect_vreg.gather [hbm4b:s10+s3], $0x80, v2, vm0, $0xb8;
	[tilespmem:$0x18080] =	vst v63  }
0xd4: {  	s22 =	simm.s32 $0xC080  }
0xd5: {  	[tilespmem:s22], [sflag:$0x2] =	stream.indirect_vreg.gather [hbm4b:s12+s3], $0x80, v2, vm0, $0xb8;
	[tilespmem:$0x18080] =	vst v63  }
0xd6: {  	s28 =	simm.s32 $0xC880  }
0xd7: {  	[tilespmem:s28], [sflag:$0x2] =	stream.indirect_vreg.gather [hbm4b:s13+s3], $0x80, v2, vm0, $0xb8;
	[tilespmem:$0x18080] =	vst v63  }
0xd8: {  	s2 =	simm.s32 $0xD080  }
0xd9: {  	[tilespmem:s2], [sflag:$0x2] =	stream.indirect_vreg.gather [hbm4b:s14+s3], $0x80, v2, vm0, $0xb8;
	[tilespmem:$0x18080] =	vst v63  }
0xda: {  	s22 =	simm.s32 $0xD880  }
0xdb: {  	[tilespmem:s22], [sflag:$0x2] =	stream.indirect_vreg.gather [hbm4b:s15+s3], $0x80, v2, vm0, $0xb8;
	[tilespmem:$0x18080] =	vst v63  }
0xdc: {  	s28 =	simm.s32 $0xE080  }
0xdd: {  	[tilespmem:s28], [sflag:$0x2] =	stream.indirect_vreg.gather [hbm4b:s16+s3], $0x80, v2, vm0, $0xb8;
	[tilespmem:$0x18080] =	vst v63  }
0xde: {  	s2 =	simm.s32 $0xE880  }
0xdf: {  	[tilespmem:s2], [sflag:$0x2] =	stream.indirect_vreg.gather [hbm4b:s17+s3], $0x80, v2, vm0, $0xb8;
	[tilespmem:$0x18080] =	vst v63  }
0xe0: {  	s22 =	simm.s32 $0xF080  }
0xe1: {  	[tilespmem:s22], [sflag:$0x2] =	stream.indirect_vreg.gather [hbm4b:s18+s3], $0x80, v2, vm0, $0xb8;
	[tilespmem:$0x18080] =	vst v63  }
0xe2: {  	s28 =	simm.s32 $0xF880;
	s2 =	simm.s32 $0x3  }
0xe3: {  	[tilespmem:s28], [sflag:$0x2] =	stream.indirect_vreg.gather [hbm4b:s19+s3], $0x80, v2, vm0, $0xb8;
	[tilespmem:$0x18080] =	vst v63  }
0xe4: {  	_ =	swait.ge [sflag:s2], $0x8000  }
0xe5: {  	[sflag:s2] =	ssyncset.done $0x0  }
0xe6: {  	s22 =	simm.s32 $0x10080;
	s1 =	rddreg [dreg:$0x6];
	[sflag:s2] =	ssyncadd.s32 $0xFFFF8000  }
0xe7: {  	[hbm4b:s1+s3] =	stream.linear.scatter [tilespmem:s22], [sflag:$0x6], $0x8000, $0x38;
	[tilespmem:$0x18080] =	vst v63  }
0xe8: {  	s1 =	simm.s32 $0x6  }
0xe9: {  	_ =	swait.ge [sflag:s1], $0x8000  }
0xea: {  	[sflag:s1] =	ssyncset.done $0x0  }
0xeb: {  	[sflag:s1] =	ssyncadd.s32 $0xFFFF8000  }
0xec: {  	v2 =	vld.msk [tilespmem:$0x28], $0xff;
	_ =	sdelay $0x4  }
0xed: {  	v3 =	vshll.u32 v2, $0x5  }
0xee: {  	v2 =	vand.u32 $0x7, v2;
	v3 =	vand.u32 $0xFFFFFF00, v3  }
0xef: {  	v2 =	vor.u32 v2, v3  }
0xf0: {  	v2 =	vperm.xlane v2, v0;
	_ =	sdelay $0x1  }
0xf1: {  	v2 =	vadd.s32 v1, v2;
	_ =	sdelay $0x4  }
0xf2: {  	[tilespmem:s22], [sflag:$0x3] =	stream.indirect_vreg.gather [hbm4b:s0+s3], $0x80, v2, vm0, $0xb8;
	[tilespmem:$0x18080] =	vst v63  }
0xf3: {  	s28 =	simm.s32 $0x10880  }
0xf4: {  	[tilespmem:s28], [sflag:$0x3] =	stream.indirect_vreg.gather [hbm4b:s4+s3], $0x80, v2, vm0, $0xb8;
	[tilespmem:$0x18080] =	vst v63  }
0xf5: {  	_ = 	snop  }
0xf6: {  	[tilespmem:s29], [sflag:$0x3] =	stream.indirect_vreg.gather [hbm4b:s5+s3], $0x80, v2, vm0, $0xb8;
	[tilespmem:$0x18080] =	vst v63  }
0xf7: {  	_ = 	snop  }
0xf8: {  	[tilespmem:s30], [sflag:$0x3] =	stream.indirect_vreg.gather [hbm4b:s6+s3], $0x80, v2, vm0, $0xb8;
	[tilespmem:$0x18080] =	vst v63  }
0xf9: {  	_ = 	snop  }
0xfa: {  	[tilespmem:s31], [sflag:$0x3] =	stream.indirect_vreg.gather [hbm4b:s7+s3], $0x80, v2, vm0, $0xb8;
	[tilespmem:$0x18080] =	vst v63  }
0xfb: {  	s28 =	simm.s32 $0x12880  }
0xfc: {  	[tilespmem:s28], [sflag:$0x3] =	stream.indirect_vreg.gather [hbm4b:s8+s3], $0x80, v2, vm0, $0xb8;
	[tilespmem:$0x18080] =	vst v63  }
0xfd: {  	s28 =	simm.s32 $0x13080  }
0xfe: {  	[tilespmem:s28], [sflag:$0x3] =	stream.indirect_vreg.gather [hbm4b:s9+s3], $0x80, v2, vm0, $0xb8;
	[tilespmem:$0x18080] =	vst v63  }
0xff: {  	s28 =	simm.s32 $0x13880  }
0x100: {  	[tilespmem:s28], [sflag:$0x3] =	stream.indirect_vreg.gather [hbm4b:s10+s3], $0x80, v2, vm0, $0xb8;
	[tilespmem:$0x18080] =	vst v63  }
0x101: {  	s28 =	simm.s32 $0x14080  }
0x102: {  	[tilespmem:s28], [sflag:$0x3] =	stream.indirect_vreg.gather [hbm4b:s12+s3], $0x80, v2, vm0, $0xb8;
	[tilespmem:$0x18080] =	vst v63  }
0x103: {  	s28 =	simm.s32 $0x14880  }
0x104: {  	[tilespmem:s28], [sflag:$0x3] =	stream.indirect_vreg.gather [hbm4b:s13+s3], $0x80, v2, vm0, $0xb8;
	[tilespmem:$0x18080] =	vst v63  }
0x105: {  	s28 =	simm.s32 $0x15080  }
0x106: {  	[tilespmem:s28], [sflag:$0x3] =	stream.indirect_vreg.gather [hbm4b:s14+s3], $0x80, v2, vm0, $0xb8;
	[tilespmem:$0x18080] =	vst v63  }
0x107: {  	s28 =	simm.s32 $0x15880  }
0x108: {  	[tilespmem:s28], [sflag:$0x3] =	stream.indirect_vreg.gather [hbm4b:s15+s3], $0x80, v2, vm0, $0xb8;
	[tilespmem:$0x18080] =	vst v63  }
0x109: {  	s28 =	simm.s32 $0x16080  }
0x10a: {  	[tilespmem:s28], [sflag:$0x3] =	stream.indirect_vreg.gather [hbm4b:s16+s3], $0x80, v2, vm0, $0xb8;
	[tilespmem:$0x18080] =	vst v63  }
0x10b: {  	s28 =	simm.s32 $0x16880  }
0x10c: {  	[tilespmem:s28], [sflag:$0x3] =	stream.indirect_vreg.gather [hbm4b:s17+s3], $0x80, v2, vm0, $0xb8;
	[tilespmem:$0x18080] =	vst v63  }
0x10d: {  	s28 =	simm.s32 $0x17080  }
0x10e: {  	[tilespmem:s28], [sflag:$0x3] =	stream.indirect_vreg.gather [hbm4b:s18+s3], $0x80, v2, vm0, $0xb8;
	[tilespmem:$0x18080] =	vst v63  }
0x10f: {  	s28 =	simm.s32 $0x17880  }
0x110: {  	[tilespmem:s28], [sflag:$0x3] =	stream.indirect_vreg.gather [hbm4b:s19+s3], $0x80, v2, vm0, $0xb8;
	[tilespmem:$0x18080] =	vst v63  }
0x111: {  	_ =	swait.ge [sflag:s25], $0x8000  }
0x112: {  	[sflag:s25] =	ssyncset.done $0x0  }
0x113: {  	s22 =	rddreg [dreg:$0x7];
	[sflag:s25] =	ssyncadd.s32 $0xFFFF8000  }
0x114: {  	[hbm4b:s22+s3] =	stream.linear.scatter [tilespmem:s26], [sflag:$0x4], $0x8000, $0x38;
	[tilespmem:$0x18080] =	vst v63  }
0x115: {  	_ =	swait.ge [sflag:s11], $0x8000  }
0x116: {  	[sflag:s11] =	ssyncset.done $0x0  }
0x117: {  	[sflag:s11] =	ssyncadd.s32 $0xFFFF8000  }
0x118: {  	v2 =	vld.msk [tilespmem:$0x30], $0xff;
	_ =	sdelay $0x4  }
0x119: {  	v3 =	vshll.u32 v2, $0x5  }
0x11a: {  	v2 =	vand.u32 $0x7, v2;
	v3 =	vand.u32 $0xFFFFFF00, v3  }
0x11b: {  	v2 =	vor.u32 v2, v3  }
0x11c: {  	v2 =	vperm.xlane v2, v0;
	_ =	sdelay $0x1  }
0x11d: {  	v2 =	vadd.s32 v1, v2;
	_ =	sdelay $0x4  }
0x11e: {  	[tilespmem:s26], [sflag:$0x1] =	stream.indirect_vreg.gather [hbm4b:s0+s3], $0x80, v2, vm0, $0xb8;
	[tilespmem:$0x18080] =	vst v63  }
0x11f: {  	s28 =	simm.s32 $0x880  }
0x120: {  	[tilespmem:s28], [sflag:$0x1] =	stream.indirect_vreg.gather [hbm4b:s4+s3], $0x80, v2, vm0, $0xb8;
	[tilespmem:$0x18080] =	vst v63  }
0x121: {  	s28 =	simm.s32 $0x1080  }
0x122: {  	[tilespmem:s28], [sflag:$0x1] =	stream.indirect_vreg.gather [hbm4b:s5+s3], $0x80, v2, vm0, $0xb8;
	[tilespmem:$0x18080] =	vst v63  }
0x123: {  	s28 =	simm.s32 $0x1880  }
0x124: {  	[tilespmem:s28], [sflag:$0x1] =	stream.indirect_vreg.gather [hbm4b:s6+s3], $0x80, v2, vm0, $0xb8;
	[tilespmem:$0x18080] =	vst v63  }
0x125: {  	s28 =	simm.s32 $0x2080  }
0x126: {  	[tilespmem:s28], [sflag:$0x1] =	stream.indirect_vreg.gather [hbm4b:s7+s3], $0x80, v2, vm0, $0xb8;
	[tilespmem:$0x18080] =	vst v63  }
0x127: {  	s28 =	simm.s32 $0x2880  }
0x128: {  	[tilespmem:s28], [sflag:$0x1] =	stream.indirect_vreg.gather [hbm4b:s8+s3], $0x80, v2, vm0, $0xb8;
	[tilespmem:$0x18080] =	vst v63  }
0x129: {  	s28 =	simm.s32 $0x3080  }
0x12a: {  	[tilespmem:s28], [sflag:$0x1] =	stream.indirect_vreg.gather [hbm4b:s9+s3], $0x80, v2, vm0, $0xb8;
	[tilespmem:$0x18080] =	vst v63  }
0x12b: {  	s28 =	simm.s32 $0x3880  }
0x12c: {  	[tilespmem:s28], [sflag:$0x1] =	stream.indirect_vreg.gather [hbm4b:s10+s3], $0x80, v2, vm0, $0xb8;
	[tilespmem:$0x18080] =	vst v63  }
0x12d: {  	s28 =	simm.s32 $0x4080  }
0x12e: {  	[tilespmem:s28], [sflag:$0x1] =	stream.indirect_vreg.gather [hbm4b:s12+s3], $0x80, v2, vm0, $0xb8;
	[tilespmem:$0x18080] =	vst v63  }
0x12f: {  	s28 =	simm.s32 $0x4880  }
0x130: {  	[tilespmem:s28], [sflag:$0x1] =	stream.indirect_vreg.gather [hbm4b:s13+s3], $0x80, v2, vm0, $0xb8;
	[tilespmem:$0x18080] =	vst v63  }
0x131: {  	s28 =	simm.s32 $0x5080  }
0x132: {  	[tilespmem:s28], [sflag:$0x1] =	stream.indirect_vreg.gather [hbm4b:s14+s3], $0x80, v2, vm0, $0xb8;
	[tilespmem:$0x18080] =	vst v63  }
0x133: {  	s28 =	simm.s32 $0x5880  }
0x134: {  	[tilespmem:s28], [sflag:$0x1] =	stream.indirect_vreg.gather [hbm4b:s15+s3], $0x80, v2, vm0, $0xb8;
	[tilespmem:$0x18080] =	vst v63  }
0x135: {  	s28 =	simm.s32 $0x6080  }
0x136: {  	[tilespmem:s28], [sflag:$0x1] =	stream.indirect_vreg.gather [hbm4b:s16+s3], $0x80, v2, vm0, $0xb8;
	[tilespmem:$0x18080] =	vst v63  }
0x137: {  	s28 =	simm.s32 $0x6880  }
0x138: {  	[tilespmem:s28], [sflag:$0x1] =	stream.indirect_vreg.gather [hbm4b:s17+s3], $0x80, v2, vm0, $0xb8;
	[tilespmem:$0x18080] =	vst v63  }
0x139: {  	s28 =	simm.s32 $0x7080  }
0x13a: {  	[tilespmem:s28], [sflag:$0x1] =	stream.indirect_vreg.gather [hbm4b:s18+s3], $0x80, v2, vm0, $0xb8;
	[tilespmem:$0x18080] =	vst v63  }
0x13b: {  	s28 =	simm.s32 $0x7880  }
0x13c: {  	[tilespmem:s28], [sflag:$0x1] =	stream.indirect_vreg.gather [hbm4b:s19+s3], $0x80, v2, vm0, $0xb8;
	[tilespmem:$0x18080] =	vst v63  }
0x13d: {  	_ =	swait.ge [sflag:s21], $0x8000  }
0x13e: {  	[sflag:s21] =	ssyncset.done $0x0  }
0x13f: {  	s22 =	rddreg [dreg:$0x8];
	[sflag:s21] =	ssyncadd.s32 $0xFFFF8000  }
0x140: {  	[hbm4b:s22+s3] =	stream.linear.scatter [tilespmem:s24], [sflag:$0x5], $0x8000, $0x38;
	[tilespmem:$0x18080] =	vst v63  }
0x141: {  	_ =	swait.ge [sflag:s23], $0x8000  }
0x142: {  	[sflag:s23] =	ssyncset.done $0x0  }
0x143: {  	[sflag:s23] =	ssyncadd.s32 $0xFFFF8000  }
0x144: {  	v2 =	vld.msk [tilespmem:$0x38], $0xff;
	_ =	sdelay $0x4  }
0x145: {  	v3 =	vshll.u32 v2, $0x5  }
0x146: {  	v2 =	vand.u32 $0x7, v2;
	v3 =	vand.u32 $0xFFFFFF00, v3  }
0x147: {  	v2 =	vor.u32 v2, v3  }
0x148: {  	v2 =	vperm.xlane v2, v0;
	_ =	sdelay $0x1  }
0x149: {  	v2 =	vadd.s32 v1, v2;
	_ =	sdelay $0x4  }
0x14a: {  	[tilespmem:s24], [sflag:$0x2] =	stream.indirect_vreg.gather [hbm4b:s0+s3], $0x80, v2, vm0, $0xb8;
	[tilespmem:$0x18080] =	vst v63  }
0x14b: {  	s28 =	simm.s32 $0x8880  }
0x14c: {  	[tilespmem:s28], [sflag:$0x2] =	stream.indirect_vreg.gather [hbm4b:s4+s3], $0x80, v2, vm0, $0xb8;
	[tilespmem:$0x18080] =	vst v63  }
0x14d: {  	s22 =	simm.s32 $0x9080  }
0x14e: {  	[tilespmem:s22], [sflag:$0x2] =	stream.indirect_vreg.gather [hbm4b:s5+s3], $0x80, v2, vm0, $0xb8;
	[tilespmem:$0x18080] =	vst v63  }
0x14f: {  	s28 =	simm.s32 $0x9880  }
0x150: {  	[tilespmem:s28], [sflag:$0x2] =	stream.indirect_vreg.gather [hbm4b:s6+s3], $0x80, v2, vm0, $0xb8;
	[tilespmem:$0x18080] =	vst v63  }
0x151: {  	s22 =	simm.s32 $0xA080  }
0x152: {  	[tilespmem:s22], [sflag:$0x2] =	stream.indirect_vreg.gather [hbm4b:s7+s3], $0x80, v2, vm0, $0xb8;
	[tilespmem:$0x18080] =	vst v63  }
0x153: {  	s28 =	simm.s32 $0xA880  }
0x154: {  	[tilespmem:s28], [sflag:$0x2] =	stream.indirect_vreg.gather [hbm4b:s8+s3], $0x80, v2, vm0, $0xb8;
	[tilespmem:$0x18080] =	vst v63  }
0x155: {  	s22 =	simm.s32 $0xB080  }
0x156: {  	[tilespmem:s22], [sflag:$0x2] =	stream.indirect_vreg.gather [hbm4b:s9+s3], $0x80, v2, vm0, $0xb8;
	[tilespmem:$0x18080] =	vst v63  }
0x157: {  	s28 =	simm.s32 $0xB880  }
0x158: {  	[tilespmem:s28], [sflag:$0x2] =	stream.indirect_vreg.gather [hbm4b:s10+s3], $0x80, v2, vm0, $0xb8;
	[tilespmem:$0x18080] =	vst v63  }
0x159: {  	s22 =	simm.s32 $0xC080  }
0x15a: {  	[tilespmem:s22], [sflag:$0x2] =	stream.indirect_vreg.gather [hbm4b:s12+s3], $0x80, v2, vm0, $0xb8;
	[tilespmem:$0x18080] =	vst v63  }
0x15b: {  	s28 =	simm.s32 $0xC880  }
0x15c: {  	[tilespmem:s28], [sflag:$0x2] =	stream.indirect_vreg.gather [hbm4b:s13+s3], $0x80, v2, vm0, $0xb8;
	[tilespmem:$0x18080] =	vst v63  }
0x15d: {  	s22 =	simm.s32 $0xD080  }
0x15e: {  	[tilespmem:s22], [sflag:$0x2] =	stream.indirect_vreg.gather [hbm4b:s14+s3], $0x80, v2, vm0, $0xb8;
	[tilespmem:$0x18080] =	vst v63  }
0x15f: {  	s28 =	simm.s32 $0xD880  }
0x160: {  	[tilespmem:s28], [sflag:$0x2] =	stream.indirect_vreg.gather [hbm4b:s15+s3], $0x80, v2, vm0, $0xb8;
	[tilespmem:$0x18080] =	vst v63  }
0x161: {  	s22 =	simm.s32 $0xE080  }
0x162: {  	[tilespmem:s22], [sflag:$0x2] =	stream.indirect_vreg.gather [hbm4b:s16+s3], $0x80, v2, vm0, $0xb8;
	[tilespmem:$0x18080] =	vst v63  }
0x163: {  	s28 =	simm.s32 $0xE880  }
0x164: {  	[tilespmem:s28], [sflag:$0x2] =	stream.indirect_vreg.gather [hbm4b:s17+s3], $0x80, v2, vm0, $0xb8;
	[tilespmem:$0x18080] =	vst v63  }
0x165: {  	s22 =	simm.s32 $0xF080  }
0x166: {  	[tilespmem:s22], [sflag:$0x2] =	stream.indirect_vreg.gather [hbm4b:s18+s3], $0x80, v2, vm0, $0xb8;
	[tilespmem:$0x18080] =	vst v63  }
0x167: {  	s28 =	simm.s32 $0xF880  }
0x168: {  	[tilespmem:s28], [sflag:$0x2] =	stream.indirect_vreg.gather [hbm4b:s19+s3], $0x80, v2, vm0, $0xb8;
	[tilespmem:$0x18080] =	vst v63  }
0x169: {  	_ =	swait.ge [sflag:s2], $0x8000  }
0x16a: {  	[sflag:s2] =	ssyncset.done $0x0  }
0x16b: {  	s22 =	simm.s32 $0x10080;
	s0 =	rddreg [dreg:$0x9];
	[sflag:s2] =	ssyncadd.s32 $0xFFFF8000  }
0x16c: {  	[hbm4b:s0+s3] =	stream.linear.scatter [tilespmem:s22], [sflag:$0x6], $0x8000, $0x38;
	[tilespmem:$0x18080] =	vst v63  }
0x16d: {  	_ =	swait.ge [sflag:s25], $0x8000  }
0x16e: {  	[sflag:s25] =	ssyncset.done $0x0  }
0x16f: {  	s2 =	rddreg [dreg:$0xa];
	[sflag:s25] =	ssyncadd.s32 $0xFFFF8000  }
0x170: {  	[hbm4b:s2+s3] =	stream.linear.scatter [tilespmem:s26], [sflag:$0x4], $0x8000, $0x38;
	[tilespmem:$0x18080] =	vst v63  }
0x171: {  	_ =	swait.ge [sflag:s21], $0x8000  }
0x172: {  	[sflag:s21] =	ssyncset.done $0x0  }
0x173: {  	s22 =	rddreg [dreg:$0xb];
	[sflag:s21] =	ssyncadd.s32 $0xFFFF8000  }
0x174: {  	[hbm4b:s22+s3] =	stream.linear.scatter [tilespmem:s24], [sflag:$0x5], $0x8000, $0x38;
	[tilespmem:$0x18080] =	vst v63  }
0x175: {  	_ =	swait.ge [sflag:s1], $0x8000  }
0x176: {  	[sflag:s1] =	ssyncset.done $0x0  }
0x177: {  	[sflag:s1] =	ssyncadd.s32 $0xFFFF8000  }
0x178: {  	p0 =	sne.s32 s20, $0x1;
	_ =	swait.ge [sflag:s11], $0x8000  }
.Ltmp0:
0x179: {  	[sflag:s11] =	ssyncset.done $0x0;
	(pc) =	sbr.rel @p0 .LBB2_1-.Ltmp0, $4  }
0x17a: {  	[sflag:s11] =	ssyncadd.s32 $0xFFFF8000  }
0x17b: {  	_ =	swait.ge [sflag:s23], $0x8000  }
0x17c: {  	[sflag:s23] =	ssyncset.done $0x0  }
0x17d: {  	s20 =	sadd.s32 $0xFFFFFFFF, s20;
	[sflag:s23] =	ssyncadd.s32 $0xFFFF8000  }
0x17e: {  	_ =	sfence.sel $0x180000  }
0x17f: {  	[bflag:$0x0] =	sbarrier.arrive $0xFFFF  }
0x180: {  	_ =	strace $0x90000047  }
0x181: {  	s0 =	stileid.u32;
	[bflag:$0x2] =	sbarrier.arrive $0xFFFF  }
0x182: {  	p0 =	sne.s32 s0, $0x0;
	s0 =	rddreg [dreg:$0x3]  }
0x183: {  	s0 =	sadd.s32 @!p0 $0x100000, s0  }
0x184: {  	[sflag:s0] =	ssyncadd.tile.s32 @!p0 $0x1;
	_ =	shalt  }
.Lfunc_end2:
_tile_overlayer_lowered:
.L_overlay_start_2:
0x185: {  	(tag) =	ssettag $0x2  }
0x186: {  	s0 =	rddreg [dreg:$0x0];
	s2 =	stileid.u32  }
0x187: {  	s1 =	rddreg [dreg:$0x1];
	p0 =	sne.s32 s2, $0x0  }
0x188: {  	s3 =	rddreg [dreg:$0x2];
	[bflag:$0x3] =	sbarrier.arrive $0xFFFF;
	s2 =	simm.s32 @!p0 $0x1C07  }
0x189: {  	[timem:s3], [sflag:s2] =	dma.local @!p0 [hbm:s0], s1  }
0x18a: {  	s0 =	simm.s32 @!p0 $0x7  }
0x18b: {  	_ =	swait.ge @!p0 [sflag:s0], s1  }
0x18c: {  	s1 =	ssub.s32 @!p0 $0x0, s1;
	[sflag:s0] =	ssyncset.done @!p0 $0x0  }
0x18d: {  	[sflag:s0] =	ssyncadd.s32 @!p0 s1  }
0x18e: {  	[bflag:$0x3] =	sbarrier.arrive $0xFFFF  }
0x18f: {  	_ =	shalt  }

</sc_bundles>
